<compile_context>
chip_gen: v7x
topology: tpu7x:2x2x1
jax: 0.10.2.dev20260603
libtpu: 0.0.44.dev20260713+nightly
codegen_flags: <defaults>
</compile_context>

<pallas_src>
import functools

import jax
import jax.numpy as jnp
from jax import lax
from jax.experimental import pallas as pl
from jax.experimental.pallas import tpu as pltpu
from jax.experimental.pallas import tpu_sc as plsc

N, C, H, W = 32, 2, 512, 512
HW = H * W
NHW = N * HW
NWORKERS = 32

KSC = 15
NTC = N - KSC

ROWS = 32
CPB = H // ROWS
NCHUNK = KSC * CPB // NWORKERS
VSTEPS = ROWS * W // 16
CPR = W // 16
NBUF = 2
NPAIR = NCHUNK // NBUF
NREM = NCHUNK % NBUF

_mesh = plsc.VectorSubcoreMesh(core_axis_name="c", subcore_axis_name="s")


@functools.partial(
    pl.kernel,
    out_type=jax.ShapeDtypeStruct((NWORKERS, 6, 16), jnp.float32),
    mesh=_mesh,
    scratch_types=(
        [pltpu.VMEM((ROWS, W), jnp.float32) for _ in range(NBUF)]
        + [pltpu.VMEM((ROWS, W), jnp.float32) for _ in range(NBUF)]
        + [pltpu.VMEM((ROWS, W), jnp.int32) for _ in range(NBUF)]
        + [pltpu.VMEM((6, 16), jnp.float32)]
        + [pltpu.SemaphoreType.DMA for _ in range(NBUF)]
    ),
)
def _dice_partials_sc(in_hbm, t_hbm, out_hbm, *refs):
    a0bufs = refs[0:NBUF]
    a1bufs = refs[NBUF:2 * NBUF]
    tbufs = refs[2 * NBUF:3 * NBUF]
    vout = refs[3 * NBUF]
    sems = refs[3 * NBUF + 1:]

    wid = lax.axis_index("s") * 2 + lax.axis_index("c")
    chunk0 = wid * NCHUNK

    def triples(g, b):
        c = chunk0 + g
        batch = lax.shift_right_logical(c, 5)
        row = pl.multiple_of(
            lax.shift_left(lax.bitwise_and(c, CPB - 1), 5), ROWS)
        r = pl.ds(row, ROWS)
        return (
            (in_hbm.at[batch, 0, r, :], a0bufs[b]),
            (in_hbm.at[batch, 1, r, :], a1bufs[b]),
            (t_hbm.at[batch, r, :], tbufs[b]),
        )

    def issue(g, b):
        for src, dst in triples(g, b):
            pltpu.async_copy(src, dst, sems[b])

    def drain(g, b):
        for src, dst in triples(g, b):
            pltpu.make_async_copy(src, dst, sems[b]).wait()

    for b in range(min(NBUF, NCHUNK)):
        issue(b, b)

    zf = jnp.zeros((16,), jnp.float32)
    zi = jnp.zeros((16,), jnp.int32)

    def chunk_body(i, carry, a0r, a1r, tr):
        q, r_, sq0, sq1, cnt = carry
        row = lax.shift_right_logical(i, 5)
        col = pl.multiple_of(lax.shift_left(lax.bitwise_and(i, CPR - 1), 4), 16)
        sl = pl.ds(col, 16)
        a0 = a0r[row, sl]
        a1 = a1r[row, sl]
        tv = tr[row, sl]
        m = tv != 0
        return (q + jnp.where(m, a1, a0), r_ + jnp.where(m, a1, zf),
                sq0 + a0 * a0, sq1 + a1 * a1, cnt + tv)

    def consume(g, b, acc):
        drain(g, b)
        body = functools.partial(chunk_body, a0r=a0bufs[b], a1r=a1bufs[b],
                                 tr=tbufs[b])
        acc = lax.fori_loop(0, VSTEPS, body, acc, unroll=4)

        @pl.when(g + NBUF < NCHUNK)
        def _prefetch():
            issue(g + NBUF, b)

        return acc

    def outer(p, acc):
        for b in range(NBUF):
            acc = consume(p * NBUF + b, b, acc)
        return acc

    acc = lax.fori_loop(0, NPAIR, outer, (zf, zf, zf, zf, zi))
    for j in range(NREM):
        acc = consume(NPAIR * NBUF + j, j, acc)

    q, r_, sq0, sq1, cnt = acc
    for row, v in enumerate((q, r_, sq0, sq1, cnt.astype(jnp.float32), zf)):
        vout[row, :] = v
    pltpu.sync_copy(vout, out_hbm.at[wid])


def _dice_tc_body(in_ref, t_ref, out_ref):
    @pl.when(pl.program_id(0) == 0)
    def _init():
        out_ref[...] = jnp.zeros_like(out_ref)

    a0 = in_ref[0, 0]
    a1 = in_ref[0, 1]
    tv = t_ref[0]
    m = tv != 0
    q = jnp.sum(jnp.where(m, a1, a0))
    r = jnp.sum(jnp.where(m, a1, 0.0))
    sq0 = jnp.sum(a0 * a0)
    sq1 = jnp.sum(a1 * a1)
    cnt = jnp.sum(tv).astype(jnp.float32)
    tiles = jnp.stack([jnp.full((8, 128), v, jnp.float32)
                       for v in (q, r, sq0, sq1, cnt)])
    out_ref[...] += tiles


_dice_partials_tc = pl.pallas_call(
    _dice_tc_body,
    grid=(NTC,),
    in_specs=[
        pl.BlockSpec((1, C, H, W), lambda i: (i + KSC, 0, 0, 0)),
        pl.BlockSpec((1, H, W), lambda i: (i + KSC, 0, 0)),
    ],
    out_specs=pl.BlockSpec((5, 8, 128), lambda i: (0, 0, 0)),
    out_shape=jax.ShapeDtypeStruct((5, 8, 128), jnp.float32),
)


def _dice_combine_body(sm_ref, psc_ref, ptc_ref, out_ref):
    psc = psc_ref[...]
    ptc = ptc_ref[...]
    q = jnp.sum(psc[:, 0, :]) + ptc[0, 0, 0]
    r = jnp.sum(psc[:, 1, :]) + ptc[1, 0, 0]
    sq0 = jnp.sum(psc[:, 2, :]) + ptc[2, 0, 0]
    sq1 = jnp.sum(psc[:, 3, :]) + ptc[3, 0, 0]
    cnt = jnp.sum(psc[:, 4, :]) + ptc[4, 0, 0]
    sm = sm_ref[0]
    loss0 = 1.0 - (2.0 * (q - r) + sm) / (sq0 + (NHW - cnt) + sm)
    loss1 = 1.0 - (2.0 * r + sm) / (sq1 + cnt + sm)
    out_ref[0, 0] = (loss0 + loss1) * 0.5


_dice_combine = pl.pallas_call(
    _dice_combine_body,
    in_specs=[
        pl.BlockSpec(memory_space=pltpu.SMEM),
        pl.BlockSpec(memory_space=pltpu.VMEM),
        pl.BlockSpec(memory_space=pltpu.VMEM),
    ],
    out_specs=pl.BlockSpec(memory_space=pltpu.SMEM),
    out_shape=jax.ShapeDtypeStruct((1, 1), jnp.float32),
)


def kernel(inputs, targets, smooth):
    t32 = targets.astype(jnp.int32)
    parts_sc = _dice_partials_sc(inputs, t32)
    parts_tc = _dice_partials_tc(inputs, t32)
    sm = smooth.astype(jnp.float32).reshape(1)
    return _dice_combine(sm, parts_sc, parts_tc)[0, 0]

# --- scband reference (transcript-rebuilt; emitter-appended) ---
"""Pipeline reference for scband-dice-coeff-12506944766504 (READ-ONLY COPY).

The authoritative reference and input builder live on the scoring server;
editing this copy changes nothing except your own understanding.
"""

import jax, jax.numpy as jnp
import numpy as np


def setup_inputs(seed: int = 0) -> dict:
    key = jax.random.key(seed)
    k1, k2 = jax.random.split(key)
    inputs = jax.random.normal(k1, (32, 2, 512, 512), dtype=jnp.float32)
    targets = jax.random.randint(k2, (32, 512, 512), 0, 2, dtype=jnp.int64)
    return {"inputs": inputs, "targets": targets, "smooth": jnp.float32(0.001)}


def _dice_loss(inp, tgt, smooth=0.001):
    N = tgt.shape[0]
    input_flat = inp.reshape(N, -1)
    target_flat = tgt.reshape(N, -1)
    intersection = input_flat * target_flat
    loss = 1.0 - (2.0 * intersection.sum() + smooth) / (
        (input_flat * input_flat).sum() + (target_flat * target_flat).sum() + smooth
    )
    return loss


def reference(inputs, targets, smooth=0.001):
    N, C, H, W = inputs.shape
    # scatter_(dim=1, index=targets.unsqueeze(1), value=1) -> one-hot along channel dim
    b_idx = jnp.arange(N)[:, None, None]
    h_idx = jnp.arange(H)[None, :, None]
    w_idx = jnp.arange(W)[None, None, :]
    onehot = jnp.zeros(inputs.shape, dtype=inputs.dtype).at[
        b_idx, targets.astype(jnp.int64), h_idx, w_idx
    ].set(1.0)
    totalloss = 0.0
    for c in range(C):
        totalloss = totalloss + _dice_loss(inputs[:, c, :, :], onehot[:, c, :, :], smooth)
    return totalloss / C

if __name__ == "__main__":
    import jax
    _d = setup_inputs()
    print(jax.jit(kernel)(*tuple(_d.values())))

</pallas_src>

<mosaic_0001>
#map = affine_map<(d0, d1) -> (0, 0, 0, 0)>
#map1 = affine_map<(d0, d1) -> (0, 0, 0)>
module attributes {stable_mosaic.version = 14 : i64} {
  func.func @_dice_partials_sc(%arg0: i32, %arg1: i32, %arg2: memref<32x2x512x512xf32, #tpu.memory_space<hbm>>, %arg3: memref<32x512x512xi32, #tpu.memory_space<hbm>>, %arg4: memref<32x6x16xf32, #tpu.memory_space<hbm>>, %arg5: memref<32x512xf32, #tpu.memory_space<vmem>>, %arg6: memref<32x512xf32, #tpu.memory_space<vmem>>, %arg7: memref<32x512xf32, #tpu.memory_space<vmem>>, %arg8: memref<32x512xf32, #tpu.memory_space<vmem>>, %arg9: memref<32x512xi32, #tpu.memory_space<vmem>>, %arg10: memref<32x512xi32, #tpu.memory_space<vmem>>, %arg11: memref<6x16xf32, #tpu.memory_space<vmem>>, %arg12: memref<!tpu.dma_semaphore, #tpu.memory_space<semaphore_mem>>, %arg13: memref<!tpu.dma_semaphore, #tpu.memory_space<semaphore_mem>>) attributes {dimension_semantics = [#tpu.dimension_semantics<core_parallel>, #tpu.dimension_semantics<subcore_parallel>], iteration_bounds = array<i64: 2, 16>, scalar_prefetch = 0 : i64, scratch_operands = 9 : i64, tpu.core_type = #tpu.core_type<sc_vector_subcore>, window_params = [{transform_indices = #map}, {transform_indices = #map1}, {transform_indices = #map1}]} {
    %mul3A = arith.constant 2 : i32
    %mul3A_0 = arith.muli %arg1, %mul3A : i32
    %add3A = arith.addi %mul3A_0, %arg0 : i32
    %mul3A_1 = arith.constant 7 : i32
    %mul3A_2 = arith.muli %add3A, %mul3A_1 : i32
    %add3A_3 = arith.constant 0 : i32
    %add3A_4 = arith.addi %mul3A_2, %add3A_3 : i32
    %shift_right_logical3A = arith.constant 5 : i32
    %shift_right_logical3A_5 = arith.shrui %add3A_4, %shift_right_logical3A : i32
    %and3A = arith.constant 15 : i32
    %and3A_6 = arith.andi %add3A_4, %and3A : i32
    %shift_left3A = arith.constant 5 : i32
    %shift_left3A_7 = arith.shli %and3A_6, %shift_left3A : i32
    %multiple_of3A = tpu.assume_multiple %shift_left3A_7, 32 : i32
    %dma_start3A = arith.constant 0 : i32
    %dma_start3A_8 = arith.constant 0 : i32
    %dma_start3A_9 = tpu.memref_slice %arg2[%shift_right_logical3A_5, %dma_start3A, %multiple_of3A, %dma_start3A_8] : memref<32x2x512x512xf32, #tpu.memory_space<hbm>> -> memref<1x1x32x512xf32, #tpu.memory_space<hbm>>
    %dma_start3A_10 = tpu.memref_squeeze %dma_start3A_9 : memref<1x1x32x512xf32, #tpu.memory_space<hbm>> -> memref<32x512xf32, #tpu.memory_space<hbm>>
    %dma_start3A_11 = arith.constant 0 : i32
    %dma_start3A_12 = tpu.memref_slice %arg2[%shift_right_logical3A_5, %dma_start3A, %multiple_of3A, %dma_start3A_11] : memref<32x2x512x512xf32, #tpu.memory_space<hbm>> -> memref<1x1x32x512xf32, #tpu.memory_space<hbm>>
    %dma_start3A_13 = tpu.memref_squeeze %dma_start3A_12 : memref<1x1x32x512xf32, #tpu.memory_space<hbm>> -> memref<32x512xf32, #tpu.memory_space<hbm>>
    tpu.enqueue_dma source(%dma_start3A_13 : memref<32x512xf32, #tpu.memory_space<hbm>>) target(%arg5 : memref<32x512xf32, #tpu.memory_space<vmem>>) target_semaphore(%arg12 : memref<!tpu.dma_semaphore, #tpu.memory_space<semaphore_mem>>)
    %dma_start3A_14 = arith.constant 1 : i32
    %dma_start3A_15 = arith.constant 0 : i32
    %dma_start3A_16 = tpu.memref_slice %arg2[%shift_right_logical3A_5, %dma_start3A_14, %multiple_of3A, %dma_start3A_15] : memref<32x2x512x512xf32, #tpu.memory_space<hbm>> -> memref<1x1x32x512xf32, #tpu.memory_space<hbm>>
    %dma_start3A_17 = tpu.memref_squeeze %dma_start3A_16 : memref<1x1x32x512xf32, #tpu.memory_space<hbm>> -> memref<32x512xf32, #tpu.memory_space<hbm>>
    %dma_start3A_18 = arith.constant 0 : i32
    %dma_start3A_19 = tpu.memref_slice %arg2[%shift_right_logical3A_5, %dma_start3A_14, %multiple_of3A, %dma_start3A_18] : memref<32x2x512x512xf32, #tpu.memory_space<hbm>> -> memref<1x1x32x512xf32, #tpu.memory_space<hbm>>
    %dma_start3A_20 = tpu.memref_squeeze %dma_start3A_19 : memref<1x1x32x512xf32, #tpu.memory_space<hbm>> -> memref<32x512xf32, #tpu.memory_space<hbm>>
    tpu.enqueue_dma source(%dma_start3A_20 : memref<32x512xf32, #tpu.memory_space<hbm>>) target(%arg7 : memref<32x512xf32, #tpu.memory_space<vmem>>) target_semaphore(%arg12 : memref<!tpu.dma_semaphore, #tpu.memory_space<semaphore_mem>>)
    %dma_start3A_21 = arith.constant 0 : i32
    %dma_start3A_22 = tpu.memref_slice %arg3[%shift_right_logical3A_5, %multiple_of3A, %dma_start3A_21] : memref<32x512x512xi32, #tpu.memory_space<hbm>> -> memref<1x32x512xi32, #tpu.memory_space<hbm>>
    %dma_start3A_23 = tpu.memref_squeeze %dma_start3A_22 : memref<1x32x512xi32, #tpu.memory_space<hbm>> -> memref<32x512xi32, #tpu.memory_space<hbm>>
    %dma_start3A_24 = arith.constant 0 : i32
    %dma_start3A_25 = tpu.memref_slice %arg3[%shift_right_logical3A_5, %multiple_of3A, %dma_start3A_24] : memref<32x512x512xi32, #tpu.memory_space<hbm>> -> memref<1x32x512xi32, #tpu.memory_space<hbm>>
    %dma_start3A_26 = tpu.memref_squeeze %dma_start3A_25 : memref<1x32x512xi32, #tpu.memory_space<hbm>> -> memref<32x512xi32, #tpu.memory_space<hbm>>
    tpu.enqueue_dma source(%dma_start3A_26 : memref<32x512xi32, #tpu.memory_space<hbm>>) target(%arg9 : memref<32x512xi32, #tpu.memory_space<vmem>>) target_semaphore(%arg12 : memref<!tpu.dma_semaphore, #tpu.memory_space<semaphore_mem>>)
    %add3A_27 = arith.constant 1 : i32
    %add3A_28 = arith.addi %mul3A_2, %add3A_27 : i32
    %shift_right_logical3A_29 = arith.constant 5 : i32
    %shift_right_logical3A_30 = arith.shrui %add3A_28, %shift_right_logical3A_29 : i32
    %and3A_31 = arith.constant 15 : i32
    %and3A_32 = arith.andi %add3A_28, %and3A_31 : i32
    %shift_left3A_33 = arith.constant 5 : i32
    %shift_left3A_34 = arith.shli %and3A_32, %shift_left3A_33 : i32
    %multiple_of3A_35 = tpu.assume_multiple %shift_left3A_34, 32 : i32
    %dma_start3A_36 = arith.constant 0 : i32
    %dma_start3A_37 = arith.constant 0 : i32
    %dma_start3A_38 = tpu.memref_slice %arg2[%shift_right_logical3A_30, %dma_start3A_36, %multiple_of3A_35, %dma_start3A_37] : memref<32x2x512x512xf32, #tpu.memory_space<hbm>> -> memref<1x1x32x512xf32, #tpu.memory_space<hbm>>
    %dma_start3A_39 = tpu.memref_squeeze %dma_start3A_38 : memref<1x1x32x512xf32, #tpu.memory_space<hbm>> -> memref<32x512xf32, #tpu.memory_space<hbm>>
    %dma_start3A_40 = arith.constant 0 : i32
    %dma_start3A_41 = tpu.memref_slice %arg2[%shift_right_logical3A_30, %dma_start3A_36, %multiple_of3A_35, %dma_start3A_40] : memref<32x2x512x512xf32, #tpu.memory_space<hbm>> -> memref<1x1x32x512xf32, #tpu.memory_space<hbm>>
    %dma_start3A_42 = tpu.memref_squeeze %dma_start3A_41 : memref<1x1x32x512xf32, #tpu.memory_space<hbm>> -> memref<32x512xf32, #tpu.memory_space<hbm>>
    tpu.enqueue_dma source(%dma_start3A_42 : memref<32x512xf32, #tpu.memory_space<hbm>>) target(%arg6 : memref<32x512xf32, #tpu.memory_space<vmem>>) target_semaphore(%arg13 : memref<!tpu.dma_semaphore, #tpu.memory_space<semaphore_mem>>)
    %dma_start3A_43 = arith.constant 1 : i32
    %dma_start3A_44 = arith.constant 0 : i32
    %dma_start3A_45 = tpu.memref_slice %arg2[%shift_right_logical3A_30, %dma_start3A_43, %multiple_of3A_35, %dma_start3A_44] : memref<32x2x512x512xf32, #tpu.memory_space<hbm>> -> memref<1x1x32x512xf32, #tpu.memory_space<hbm>>
    %dma_start3A_46 = tpu.memref_squeeze %dma_start3A_45 : memref<1x1x32x512xf32, #tpu.memory_space<hbm>> -> memref<32x512xf32, #tpu.memory_space<hbm>>
    %dma_start3A_47 = arith.constant 0 : i32
    %dma_start3A_48 = tpu.memref_slice %arg2[%shift_right_logical3A_30, %dma_start3A_43, %multiple_of3A_35, %dma_start3A_47] : memref<32x2x512x512xf32, #tpu.memory_space<hbm>> -> memref<1x1x32x512xf32, #tpu.memory_space<hbm>>
    %dma_start3A_49 = tpu.memref_squeeze %dma_start3A_48 : memref<1x1x32x512xf32, #tpu.memory_space<hbm>> -> memref<32x512xf32, #tpu.memory_space<hbm>>
    tpu.enqueue_dma source(%dma_start3A_49 : memref<32x512xf32, #tpu.memory_space<hbm>>) target(%arg8 : memref<32x512xf32, #tpu.memory_space<vmem>>) target_semaphore(%arg13 : memref<!tpu.dma_semaphore, #tpu.memory_space<semaphore_mem>>)
    %dma_start3A_50 = arith.constant 0 : i32
    %dma_start3A_51 = tpu.memref_slice %arg3[%shift_right_logical3A_30, %multiple_of3A_35, %dma_start3A_50] : memref<32x512x512xi32, #tpu.memory_space<hbm>> -> memref<1x32x512xi32, #tpu.memory_space<hbm>>
    %dma_start3A_52 = tpu.memref_squeeze %dma_start3A_51 : memref<1x32x512xi32, #tpu.memory_space<hbm>> -> memref<32x512xi32, #tpu.memory_space<hbm>>
    %dma_start3A_53 = arith.constant 0 : i32
    %dma_start3A_54 = tpu.memref_slice %arg3[%shift_right_logical3A_30, %multiple_of3A_35, %dma_start3A_53] : memref<32x512x512xi32, #tpu.memory_space<hbm>> -> memref<1x32x512xi32, #tpu.memory_space<hbm>>
    %dma_start3A_55 = tpu.memref_squeeze %dma_start3A_54 : memref<1x32x512xi32, #tpu.memory_space<hbm>> -> memref<32x512xi32, #tpu.memory_space<hbm>>
    tpu.enqueue_dma source(%dma_start3A_55 : memref<32x512xi32, #tpu.memory_space<hbm>>) target(%arg10 : memref<32x512xi32, #tpu.memory_space<vmem>>) target_semaphore(%arg13 : memref<!tpu.dma_semaphore, #tpu.memory_space<semaphore_mem>>)
    %broadcast_in_dim3A = arith.constant 0.000000e+00 : f32
    %broadcast_in_dim3A_56 = vector.broadcast %broadcast_in_dim3A : f32 to vector<16xf32>
    %broadcast_in_dim3A_57 = arith.constant 0 : i32
    %broadcast_in_dim3A_58 = vector.broadcast %broadcast_in_dim3A_57 : i32 to vector<16xi32>
    %scan3A = arith.constant 0 : i32
    %scan3A_59 = arith.constant 3 : i32
    %scan3A_60 = arith.addi %scan3A, %scan3A_59 : i32
    %scan3A_61 = arith.constant 1 : i32
    %scan3A_62:5 = scf.for %scan3A_133 = %scan3A to %scan3A_60 step %scan3A_61 iter_args(%scan3A_134 = %broadcast_in_dim3A_56, %scan3A_135 = %broadcast_in_dim3A_56, %scan3A_136 = %broadcast_in_dim3A_56, %scan3A_137 = %broadcast_in_dim3A_56, %scan3A_138 = %broadcast_in_dim3A_58) -> (vector<16xf32>, vector<16xf32>, vector<16xf32>, vector<16xf32>, vector<16xi32>)  : i32 {
      %mul3A_139 = arith.constant 2 : i32
      %mul3A_140 = arith.muli %scan3A_133, %mul3A_139 : i32
      %add3A_141 = arith.constant 0 : i32
      %add3A_142 = arith.addi %mul3A_140, %add3A_141 : i32
      %add3A_143 = arith.addi %mul3A_2, %add3A_142 : i32
      %shift_right_logical3A_144 = arith.constant 5 : i32
      %shift_right_logical3A_145 = arith.shrui %add3A_143, %shift_right_logical3A_144 : i32
      %and3A_146 = arith.constant 15 : i32
      %and3A_147 = arith.andi %add3A_143, %and3A_146 : i32
      %shift_left3A_148 = arith.constant 5 : i32
      %shift_left3A_149 = arith.shli %and3A_147, %shift_left3A_148 : i32
      %multiple_of3A_150 = tpu.assume_multiple %shift_left3A_149, 32 : i32
      %dma_wait3A_151 = arith.constant 0 : i32
      %dma_wait3A_152 = arith.constant 0 : i32
      %dma_wait3A_153 = tpu.memref_slice %arg2[%shift_right_logical3A_145, %dma_wait3A_151, %multiple_of3A_150, %dma_wait3A_152] : memref<32x2x512x512xf32, #tpu.memory_space<hbm>> -> memref<1x1x32x512xf32, #tpu.memory_space<hbm>>
      %dma_wait3A_154 = tpu.memref_squeeze %dma_wait3A_153 : memref<1x1x32x512xf32, #tpu.memory_space<hbm>> -> memref<32x512xf32, #tpu.memory_space<hbm>>
      %dma_wait3A_155 = arith.constant 0 : i32
      %dma_wait3A_156 = tpu.memref_slice %arg2[%shift_right_logical3A_145, %dma_wait3A_151, %multiple_of3A_150, %dma_wait3A_155] : memref<32x2x512x512xf32, #tpu.memory_space<hbm>> -> memref<1x1x32x512xf32, #tpu.memory_space<hbm>>
      %dma_wait3A_157 = tpu.memref_squeeze %dma_wait3A_156 : memref<1x1x32x512xf32, #tpu.memory_space<hbm>> -> memref<32x512xf32, #tpu.memory_space<hbm>>
      tpu.wait_dma2 semaphore(%arg12 : memref<!tpu.dma_semaphore, #tpu.memory_space<semaphore_mem>>) src(%dma_wait3A_157 : memref<32x512xf32, #tpu.memory_space<hbm>>) dst(%arg5 : memref<32x512xf32, #tpu.memory_space<vmem>>)
      %dma_wait3A_158 = arith.constant 1 : i32
      %dma_wait3A_159 = arith.constant 0 : i32
      %dma_wait3A_160 = tpu.memref_slice %arg2[%shift_right_logical3A_145, %dma_wait3A_158, %multiple_of3A_150, %dma_wait3A_159] : memref<32x2x512x512xf32, #tpu.memory_space<hbm>> -> memref<1x1x32x512xf32, #tpu.memory_space<hbm>>
      %dma_wait3A_161 = tpu.memref_squeeze %dma_wait3A_160 : memref<1x1x32x512xf32, #tpu.memory_space<hbm>> -> memref<32x512xf32, #tpu.memory_space<hbm>>
      %dma_wait3A_162 = arith.constant 0 : i32
      %dma_wait3A_163 = tpu.memref_slice %arg2[%shift_right_logical3A_145, %dma_wait3A_158, %multiple_of3A_150, %dma_wait3A_162] : memref<32x2x512x512xf32, #tpu.memory_space<hbm>> -> memref<1x1x32x512xf32, #tpu.memory_space<hbm>>
      %dma_wait3A_164 = tpu.memref_squeeze %dma_wait3A_163 : memref<1x1x32x512xf32, #tpu.memory_space<hbm>> -> memref<32x512xf32, #tpu.memory_space<hbm>>
      tpu.wait_dma2 semaphore(%arg12 : memref<!tpu.dma_semaphore, #tpu.memory_space<semaphore_mem>>) src(%dma_wait3A_164 : memref<32x512xf32, #tpu.memory_space<hbm>>) dst(%arg7 : memref<32x512xf32, #tpu.memory_space<vmem>>)
      %dma_wait3A_165 = arith.constant 0 : i32
      %dma_wait3A_166 = tpu.memref_slice %arg3[%shift_right_logical3A_145, %multiple_of3A_150, %dma_wait3A_165] : memref<32x512x512xi32, #tpu.memory_space<hbm>> -> memref<1x32x512xi32, #tpu.memory_space<hbm>>
      %dma_wait3A_167 = tpu.memref_squeeze %dma_wait3A_166 : memref<1x32x512xi32, #tpu.memory_space<hbm>> -> memref<32x512xi32, #tpu.memory_space<hbm>>
      %dma_wait3A_168 = arith.constant 0 : i32
      %dma_wait3A_169 = tpu.memref_slice %arg3[%shift_right_logical3A_145, %multiple_of3A_150, %dma_wait3A_168] : memref<32x512x512xi32, #tpu.memory_space<hbm>> -> memref<1x32x512xi32, #tpu.memory_space<hbm>>
      %dma_wait3A_170 = tpu.memref_squeeze %dma_wait3A_169 : memref<1x32x512xi32, #tpu.memory_space<hbm>> -> memref<32x512xi32, #tpu.memory_space<hbm>>
      tpu.wait_dma2 semaphore(%arg12 : memref<!tpu.dma_semaphore, #tpu.memory_space<semaphore_mem>>) src(%dma_wait3A_170 : memref<32x512xi32, #tpu.memory_space<hbm>>) dst(%arg9 : memref<32x512xi32, #tpu.memory_space<vmem>>)
      %scan3A_171 = arith.constant 0 : i32
      %scan3A_172 = arith.constant 1024 : i32
      %scan3A_173 = arith.addi %scan3A_171, %scan3A_172 : i32
      %scan3A_174 = arith.constant 4 : i32
      %scan3A_175:5 = scf.for %scan3A_227 = %scan3A_171 to %scan3A_173 step %scan3A_174 iter_args(%scan3A_228 = %scan3A_134, %scan3A_229 = %scan3A_135, %scan3A_230 = %scan3A_136, %scan3A_231 = %scan3A_137, %scan3A_232 = %scan3A_138) -> (vector<16xf32>, vector<16xf32>, vector<16xf32>, vector<16xf32>, vector<16xi32>)  : i32 {
        %shift_right_logical3A_233 = arith.constant 5 : i32
        %shift_right_logical3A_234 = arith.shrui %scan3A_227, %shift_right_logical3A_233 : i32
        %and3A_235 = arith.constant 31 : i32
        %and3A_236 = arith.andi %scan3A_227, %and3A_235 : i32
        %shift_left3A_237 = arith.constant 4 : i32
        %shift_left3A_238 = arith.shli %and3A_236, %shift_left3A_237 : i32
        %multiple_of3A_239 = tpu.assume_multiple %shift_left3A_238, 16 : i32
        %get3A = arith.index_cast %shift_right_logical3A_234 : i32 to index
        %get3A_240 = arith.index_cast %multiple_of3A_239 : i32 to index
        %get3A_241 = tpu.vector_load %arg5[%get3A, %get3A_240] {strides = array<i32>} : memref<32x512xf32, #tpu.memory_space<vmem>>, vector<1x16xf32>,
        %get3A_242 = vector.shape_cast %get3A_241 : vector<1x16xf32> to vector<16xf32>
        %get3A_243 = arith.index_cast %shift_right_logical3A_234 : i32 to index
        %get3A_244 = arith.index_cast %multiple_of3A_239 : i32 to index
        %get3A_245 = tpu.vector_load %arg7[%get3A_243, %get3A_244] {strides = array<i32>} : memref<32x512xf32, #tpu.memory_space<vmem>>, vector<1x16xf32>,
        %get3A_246 = vector.shape_cast %get3A_245 : vector<1x16xf32> to vector<16xf32>
        %get3A_247 = arith.index_cast %shift_right_logical3A_234 : i32 to index
        %get3A_248 = arith.index_cast %multiple_of3A_239 : i32 to index
        %get3A_249 = tpu.vector_load %arg9[%get3A_247, %get3A_248] {strides = array<i32>} : memref<32x512xi32, #tpu.memory_space<vmem>>, vector<1x16xi32>,
        %get3A_250 = vector.shape_cast %get3A_249 : vector<1x16xi32> to vector<16xi32>
        %ne3A = arith.constant 0 : i32
        %ne3A_251 = vector.broadcast %ne3A : i32 to vector<16xi32>
        %ne3A_252 = arith.cmpi ne, %get3A_250, %ne3A_251 : vector<16xi32>
        %select_n3A = arith.select %ne3A_252, %get3A_246, %get3A_242 : vector<16xi1>, vector<16xf32>
        %add3A_253 = arith.addf %scan3A_228, %select_n3A : vector<16xf32>
        %select_n3A_254 = arith.select %ne3A_252, %get3A_246, %broadcast_in_dim3A_56 : vector<16xi1>, vector<16xf32>
        %add3A_255 = arith.addf %scan3A_229, %select_n3A_254 : vector<16xf32>
        %mul3A_256 = arith.mulf %get3A_242, %get3A_242 : vector<16xf32>
        %add3A_257 = arith.addf %scan3A_230, %mul3A_256 : vector<16xf32>
        %mul3A_258 = arith.mulf %get3A_246, %get3A_246 : vector<16xf32>
        %add3A_259 = arith.addf %scan3A_231, %mul3A_258 : vector<16xf32>
        %add3A_260 = arith.addi %scan3A_232, %get3A_250 : vector<16xi32>
        %scan3A_261 = arith.constant 1 : i32
        %scan3A_262 = arith.addi %scan3A_227, %scan3A_261 : i32
        %shift_right_logical3A_263 = arith.constant 5 : i32
        %shift_right_logical3A_264 = arith.shrui %scan3A_262, %shift_right_logical3A_263 : i32
        %and3A_265 = arith.constant 31 : i32
        %and3A_266 = arith.andi %scan3A_262, %and3A_265 : i32
        %shift_left3A_267 = arith.constant 4 : i32
        %shift_left3A_268 = arith.shli %and3A_266, %shift_left3A_267 : i32
        %multiple_of3A_269 = tpu.assume_multiple %shift_left3A_268, 16 : i32
        %get3A_270 = arith.index_cast %shift_right_logical3A_264 : i32 to index
        %get3A_271 = arith.index_cast %multiple_of3A_269 : i32 to index
        %get3A_272 = tpu.vector_load %arg5[%get3A_270, %get3A_271] {strides = array<i32>} : memref<32x512xf32, #tpu.memory_space<vmem>>, vector<1x16xf32>,
        %get3A_273 = vector.shape_cast %get3A_272 : vector<1x16xf32> to vector<16xf32>
        %get3A_274 = arith.index_cast %shift_right_logical3A_264 : i32 to index
        %get3A_275 = arith.index_cast %multiple_of3A_269 : i32 to index
        %get3A_276 = tpu.vector_load %arg7[%get3A_274, %get3A_275] {strides = array<i32>} : memref<32x512xf32, #tpu.memory_space<vmem>>, vector<1x16xf32>,
        %get3A_277 = vector.shape_cast %get3A_276 : vector<1x16xf32> to vector<16xf32>
        %get3A_278 = arith.index_cast %shift_right_logical3A_264 : i32 to index
        %get3A_279 = arith.index_cast %multiple_of3A_269 : i32 to index
        %get3A_280 = tpu.vector_load %arg9[%get3A_278, %get3A_279] {strides = array<i32>} : memref<32x512xi32, #tpu.memory_space<vmem>>, vector<1x16xi32>,
        %get3A_281 = vector.shape_cast %get3A_280 : vector<1x16xi32> to vector<16xi32>
        %ne3A_282 = arith.constant 0 : i32
        %ne3A_283 = vector.broadcast %ne3A_282 : i32 to vector<16xi32>
        %ne3A_284 = arith.cmpi ne, %get3A_281, %ne3A_283 : vector<16xi32>
        %select_n3A_285 = arith.select %ne3A_284, %get3A_277, %get3A_273 : vector<16xi1>, vector<16xf32>
        %add3A_286 = arith.addf %add3A_253, %select_n3A_285 : vector<16xf32>
        %select_n3A_287 = arith.select %ne3A_284, %get3A_277, %broadcast_in_dim3A_56 : vector<16xi1>, vector<16xf32>
        %add3A_288 = arith.addf %add3A_255, %select_n3A_287 : vector<16xf32>
        %mul3A_289 = arith.mulf %get3A_273, %get3A_273 : vector<16xf32>
        %add3A_290 = arith.addf %add3A_257, %mul3A_289 : vector<16xf32>
        %mul3A_291 = arith.mulf %get3A_277, %get3A_277 : vector<16xf32>
        %add3A_292 = arith.addf %add3A_259, %mul3A_291 : vector<16xf32>
        %add3A_293 = arith.addi %add3A_260, %get3A_281 : vector<16xi32>
        %scan3A_294 = arith.constant 2 : i32
        %scan3A_295 = arith.addi %scan3A_227, %scan3A_294 : i32
        %shift_right_logical3A_296 = arith.constant 5 : i32
        %shift_right_logical3A_297 = arith.shrui %scan3A_295, %shift_right_logical3A_296 : i32
        %and3A_298 = arith.constant 31 : i32
        %and3A_299 = arith.andi %scan3A_295, %and3A_298 : i32
        %shift_left3A_300 = arith.constant 4 : i32
        %shift_left3A_301 = arith.shli %and3A_299, %shift_left3A_300 : i32
        %multiple_of3A_302 = tpu.assume_multiple %shift_left3A_301, 16 : i32
        %get3A_303 = arith.index_cast %shift_right_logical3A_297 : i32 to index
        %get3A_304 = arith.index_cast %multiple_of3A_302 : i32 to index
        %get3A_305 = tpu.vector_load %arg5[%get3A_303, %get3A_304] {strides = array<i32>} : memref<32x512xf32, #tpu.memory_space<vmem>>, vector<1x16xf32>,
        %get3A_306 = vector.shape_cast %get3A_305 : vector<1x16xf32> to vector<16xf32>
        %get3A_307 = arith.index_cast %shift_right_logical3A_297 : i32 to index
        %get3A_308 = arith.index_cast %multiple_of3A_302 : i32 to index
        %get3A_309 = tpu.vector_load %arg7[%get3A_307, %get3A_308] {strides = array<i32>} : memref<32x512xf32, #tpu.memory_space<vmem>>, vector<1x16xf32>,
        %get3A_310 = vector.shape_cast %get3A_309 : vector<1x16xf32> to vector<16xf32>
        %get3A_311 = arith.index_cast %shift_right_logical3A_297 : i32 to index
        %get3A_312 = arith.index_cast %multiple_of3A_302 : i32 to index
        %get3A_313 = tpu.vector_load %arg9[%get3A_311, %get3A_312] {strides = array<i32>} : memref<32x512xi32, #tpu.memory_space<vmem>>, vector<1x16xi32>,
        %get3A_314 = vector.shape_cast %get3A_313 : vector<1x16xi32> to vector<16xi32>
        %ne3A_315 = arith.constant 0 : i32
        %ne3A_316 = vector.broadcast %ne3A_315 : i32 to vector<16xi32>
        %ne3A_317 = arith.cmpi ne, %get3A_314, %ne3A_316 : vector<16xi32>
        %select_n3A_318 = arith.select %ne3A_317, %get3A_310, %get3A_306 : vector<16xi1>, vector<16xf32>
        %add3A_319 = arith.addf %add3A_286, %select_n3A_318 : vector<16xf32>
        %select_n3A_320 = arith.select %ne3A_317, %get3A_310, %broadcast_in_dim3A_56 : vector<16xi1>, vector<16xf32>
        %add3A_321 = arith.addf %add3A_288, %select_n3A_320 : vector<16xf32>
        %mul3A_322 = arith.mulf %get3A_306, %get3A_306 : vector<16xf32>
        %add3A_323 = arith.addf %add3A_290, %mul3A_322 : vector<16xf32>
        %mul3A_324 = arith.mulf %get3A_310, %get3A_310 : vector<16xf32>
        %add3A_325 = arith.addf %add3A_292, %mul3A_324 : vector<16xf32>
        %add3A_326 = arith.addi %add3A_293, %get3A_314 : vector<16xi32>
        %scan3A_327 = arith.constant 3 : i32
        %scan3A_328 = arith.addi %scan3A_227, %scan3A_327 : i32
        %shift_right_logical3A_329 = arith.constant 5 : i32
        %shift_right_logical3A_330 = arith.shrui %scan3A_328, %shift_right_logical3A_329 : i32
        %and3A_331 = arith.constant 31 : i32
        %and3A_332 = arith.andi %scan3A_328, %and3A_331 : i32
        %shift_left3A_333 = arith.constant 4 : i32
        %shift_left3A_334 = arith.shli %and3A_332, %shift_left3A_333 : i32
        %multiple_of3A_335 = tpu.assume_multiple %shift_left3A_334, 16 : i32
        %get3A_336 = arith.index_cast %shift_right_logical3A_330 : i32 to index
        %get3A_337 = arith.index_cast %multiple_of3A_335 : i32 to index
        %get3A_338 = tpu.vector_load %arg5[%get3A_336, %get3A_337] {strides = array<i32>} : memref<32x512xf32, #tpu.memory_space<vmem>>, vector<1x16xf32>,
        %get3A_339 = vector.shape_cast %get3A_338 : vector<1x16xf32> to vector<16xf32>
        %get3A_340 = arith.index_cast %shift_right_logical3A_330 : i32 to index
        %get3A_341 = arith.index_cast %multiple_of3A_335 : i32 to index
        %get3A_342 = tpu.vector_load %arg7[%get3A_340, %get3A_341] {strides = array<i32>} : memref<32x512xf32, #tpu.memory_space<vmem>>, vector<1x16xf32>,
        %get3A_343 = vector.shape_cast %get3A_342 : vector<1x16xf32> to vector<16xf32>
        %get3A_344 = arith.index_cast %shift_right_logical3A_330 : i32 to index
        %get3A_345 = arith.index_cast %multiple_of3A_335 : i32 to index
        %get3A_346 = tpu.vector_load %arg9[%get3A_344, %get3A_345] {strides = array<i32>} : memref<32x512xi32, #tpu.memory_space<vmem>>, vector<1x16xi32>,
        %get3A_347 = vector.shape_cast %get3A_346 : vector<1x16xi32> to vector<16xi32>
        %ne3A_348 = arith.constant 0 : i32
        %ne3A_349 = vector.broadcast %ne3A_348 : i32 to vector<16xi32>
        %ne3A_350 = arith.cmpi ne, %get3A_347, %ne3A_349 : vector<16xi32>
        %select_n3A_351 = arith.select %ne3A_350, %get3A_343, %get3A_339 : vector<16xi1>, vector<16xf32>
        %add3A_352 = arith.addf %add3A_319, %select_n3A_351 : vector<16xf32>
        %select_n3A_353 = arith.select %ne3A_350, %get3A_343, %broadcast_in_dim3A_56 : vector<16xi1>, vector<16xf32>
        %add3A_354 = arith.addf %add3A_321, %select_n3A_353 : vector<16xf32>
        %mul3A_355 = arith.mulf %get3A_339, %get3A_339 : vector<16xf32>
        %add3A_356 = arith.addf %add3A_323, %mul3A_355 : vector<16xf32>
        %mul3A_357 = arith.mulf %get3A_343, %get3A_343 : vector<16xf32>
        %add3A_358 = arith.addf %add3A_325, %mul3A_357 : vector<16xf32>
        %add3A_359 = arith.addi %add3A_326, %get3A_347 : vector<16xi32>
        scf.yield %add3A_352, %add3A_354, %add3A_356, %add3A_358, %add3A_359 : vector<16xf32>, vector<16xf32>, vector<16xf32>, vector<16xf32>, vector<16xi32>
      }
      %scan3A_176 = arith.constant 1024 : i32
      %add3A_177 = arith.constant 2 : i32
      %add3A_178 = arith.addi %add3A_142, %add3A_177 : i32
      %lt3A = arith.constant 7 : i32
      %lt3A_179 = arith.cmpi slt, %add3A_178, %lt3A : i32
      %convert_element_type3A_180 = arith.extui %lt3A_179 : i1 to i32
      %cond3A = arith.constant 0 : i32
      %cond3A_181 = arith.cmpi ne, %convert_element_type3A_180, %cond3A : i32
      scf.if %cond3A_181 {
        %add3A_227 = arith.constant 2 : i32
        %add3A_228 = arith.addi %add3A_142, %add3A_227 : i32
        %add3A_229 = arith.addi %mul3A_2, %add3A_228 : i32
        %shift_right_logical3A_230 = arith.constant 5 : i32
        %shift_right_logical3A_231 = arith.shrui %add3A_229, %shift_right_logical3A_230 : i32
        %and3A_232 = arith.constant 15 : i32
        %and3A_233 = arith.andi %add3A_229, %and3A_232 : i32
        %shift_left3A_234 = arith.constant 5 : i32
        %shift_left3A_235 = arith.shli %and3A_233, %shift_left3A_234 : i32
        %multiple_of3A_236 = tpu.assume_multiple %shift_left3A_235, 32 : i32
        %dma_start3A_237 = arith.constant 0 : i32
        %dma_start3A_238 = arith.constant 0 : i32
        %dma_start3A_239 = tpu.memref_slice %arg2[%shift_right_logical3A_231, %dma_start3A_237, %multiple_of3A_236, %dma_start3A_238] : memref<32x2x512x512xf32, #tpu.memory_space<hbm>> -> memref<1x1x32x512xf32, #tpu.memory_space<hbm>>
        %dma_start3A_240 = tpu.memref_squeeze %dma_start3A_239 : memref<1x1x32x512xf32, #tpu.memory_space<hbm>> -> memref<32x512xf32, #tpu.memory_space<hbm>>
        %dma_start3A_241 = arith.constant 0 : i32
        %dma_start3A_242 = tpu.memref_slice %arg2[%shift_right_logical3A_231, %dma_start3A_237, %multiple_of3A_236, %dma_start3A_241] : memref<32x2x512x512xf32, #tpu.memory_space<hbm>> -> memref<1x1x32x512xf32, #tpu.memory_space<hbm>>
        %dma_start3A_243 = tpu.memref_squeeze %dma_start3A_242 : memref<1x1x32x512xf32, #tpu.memory_space<hbm>> -> memref<32x512xf32, #tpu.memory_space<hbm>>
        tpu.enqueue_dma source(%dma_start3A_243 : memref<32x512xf32, #tpu.memory_space<hbm>>) target(%arg5 : memref<32x512xf32, #tpu.memory_space<vmem>>) target_semaphore(%arg12 : memref<!tpu.dma_semaphore, #tpu.memory_space<semaphore_mem>>)
        %dma_start3A_244 = arith.constant 1 : i32
        %dma_start3A_245 = arith.constant 0 : i32
        %dma_start3A_246 = tpu.memref_slice %arg2[%shift_right_logical3A_231, %dma_start3A_244, %multiple_of3A_236, %dma_start3A_245] : memref<32x2x512x512xf32, #tpu.memory_space<hbm>> -> memref<1x1x32x512xf32, #tpu.memory_space<hbm>>
        %dma_start3A_247 = tpu.memref_squeeze %dma_start3A_246 : memref<1x1x32x512xf32, #tpu.memory_space<hbm>> -> memref<32x512xf32, #tpu.memory_space<hbm>>
        %dma_start3A_248 = arith.constant 0 : i32
        %dma_start3A_249 = tpu.memref_slice %arg2[%shift_right_logical3A_231, %dma_start3A_244, %multiple_of3A_236, %dma_start3A_248] : memref<32x2x512x512xf32, #tpu.memory_space<hbm>> -> memref<1x1x32x512xf32, #tpu.memory_space<hbm>>
        %dma_start3A_250 = tpu.memref_squeeze %dma_start3A_249 : memref<1x1x32x512xf32, #tpu.memory_space<hbm>> -> memref<32x512xf32, #tpu.memory_space<hbm>>
        tpu.enqueue_dma source(%dma_start3A_250 : memref<32x512xf32, #tpu.memory_space<hbm>>) target(%arg7 : memref<32x512xf32, #tpu.memory_space<vmem>>) target_semaphore(%arg12 : memref<!tpu.dma_semaphore, #tpu.memory_space<semaphore_mem>>)
        %dma_start3A_251 = arith.constant 0 : i32
        %dma_start3A_252 = tpu.memref_slice %arg3[%shift_right_logical3A_231, %multiple_of3A_236, %dma_start3A_251] : memref<32x512x512xi32, #tpu.memory_space<hbm>> -> memref<1x32x512xi32, #tpu.memory_space<hbm>>
        %dma_start3A_253 = tpu.memref_squeeze %dma_start3A_252 : memref<1x32x512xi32, #tpu.memory_space<hbm>> -> memref<32x512xi32, #tpu.memory_space<hbm>>
        %dma_start3A_254 = arith.constant 0 : i32
        %dma_start3A_255 = tpu.memref_slice %arg3[%shift_right_logical3A_231, %multiple_of3A_236, %dma_start3A_254] : memref<32x512x512xi32, #tpu.memory_space<hbm>> -> memref<1x32x512xi32, #tpu.memory_space<hbm>>
        %dma_start3A_256 = tpu.memref_squeeze %dma_start3A_255 : memref<1x32x512xi32, #tpu.memory_space<hbm>> -> memref<32x512xi32, #tpu.memory_space<hbm>>
        tpu.enqueue_dma source(%dma_start3A_256 : memref<32x512xi32, #tpu.memory_space<hbm>>) target(%arg9 : memref<32x512xi32, #tpu.memory_space<vmem>>) target_semaphore(%arg12 : memref<!tpu.dma_semaphore, #tpu.memory_space<semaphore_mem>>)
      } else {
      }
      %mul3A_182 = arith.constant 2 : i32
      %mul3A_183 = arith.muli %scan3A_133, %mul3A_182 : i32
      %add3A_184 = arith.constant 1 : i32
      %add3A_185 = arith.addi %mul3A_183, %add3A_184 : i32
      %add3A_186 = arith.addi %mul3A_2, %add3A_185 : i32
      %shift_right_logical3A_187 = arith.constant 5 : i32
      %shift_right_logical3A_188 = arith.shrui %add3A_186, %shift_right_logical3A_187 : i32
      %and3A_189 = arith.constant 15 : i32
      %and3A_190 = arith.andi %add3A_186, %and3A_189 : i32
      %shift_left3A_191 = arith.constant 5 : i32
      %shift_left3A_192 = arith.shli %and3A_190, %shift_left3A_191 : i32
      %multiple_of3A_193 = tpu.assume_multiple %shift_left3A_192, 32 : i32
      %dma_wait3A_194 = arith.constant 0 : i32
      %dma_wait3A_195 = arith.constant 0 : i32
      %dma_wait3A_196 = tpu.memref_slice %arg2[%shift_right_logical3A_188, %dma_wait3A_194, %multiple_of3A_193, %dma_wait3A_195] : memref<32x2x512x512xf32, #tpu.memory_space<hbm>> -> memref<1x1x32x512xf32, #tpu.memory_space<hbm>>
      %dma_wait3A_197 = tpu.memref_squeeze %dma_wait3A_196 : memref<1x1x32x512xf32, #tpu.memory_space<hbm>> -> memref<32x512xf32, #tpu.memory_space<hbm>>
      %dma_wait3A_198 = arith.constant 0 : i32
      %dma_wait3A_199 = tpu.memref_slice %arg2[%shift_right_logical3A_188, %dma_wait3A_194, %multiple_of3A_193, %dma_wait3A_198] : memref<32x2x512x512xf32, #tpu.memory_space<hbm>> -> memref<1x1x32x512xf32, #tpu.memory_space<hbm>>
      %dma_wait3A_200 = tpu.memref_squeeze %dma_wait3A_199 : memref<1x1x32x512xf32, #tpu.memory_space<hbm>> -> memref<32x512xf32, #tpu.memory_space<hbm>>
      tpu.wait_dma2 semaphore(%arg13 : memref<!tpu.dma_semaphore, #tpu.memory_space<semaphore_mem>>) src(%dma_wait3A_200 : memref<32x512xf32, #tpu.memory_space<hbm>>) dst(%arg6 : memref<32x512xf32, #tpu.memory_space<vmem>>)
      %dma_wait3A_201 = arith.constant 1 : i32
      %dma_wait3A_202 = arith.constant 0 : i32
      %dma_wait3A_203 = tpu.memref_slice %arg2[%shift_right_logical3A_188, %dma_wait3A_201, %multiple_of3A_193, %dma_wait3A_202] : memref<32x2x512x512xf32, #tpu.memory_space<hbm>> -> memref<1x1x32x512xf32, #tpu.memory_space<hbm>>
      %dma_wait3A_204 = tpu.memref_squeeze %dma_wait3A_203 : memref<1x1x32x512xf32, #tpu.memory_space<hbm>> -> memref<32x512xf32, #tpu.memory_space<hbm>>
      %dma_wait3A_205 = arith.constant 0 : i32
      %dma_wait3A_206 = tpu.memref_slice %arg2[%shift_right_logical3A_188, %dma_wait3A_201, %multiple_of3A_193, %dma_wait3A_205] : memref<32x2x512x512xf32, #tpu.memory_space<hbm>> -> memref<1x1x32x512xf32, #tpu.memory_space<hbm>>
      %dma_wait3A_207 = tpu.memref_squeeze %dma_wait3A_206 : memref<1x1x32x512xf32, #tpu.memory_space<hbm>> -> memref<32x512xf32, #tpu.memory_space<hbm>>
      tpu.wait_dma2 semaphore(%arg13 : memref<!tpu.dma_semaphore, #tpu.memory_space<semaphore_mem>>) src(%dma_wait3A_207 : memref<32x512xf32, #tpu.memory_space<hbm>>) dst(%arg8 : memref<32x512xf32, #tpu.memory_space<vmem>>)
      %dma_wait3A_208 = arith.constant 0 : i32
      %dma_wait3A_209 = tpu.memref_slice %arg3[%shift_right_logical3A_188, %multiple_of3A_193, %dma_wait3A_208] : memref<32x512x512xi32, #tpu.memory_space<hbm>> -> memref<1x32x512xi32, #tpu.memory_space<hbm>>
      %dma_wait3A_210 = tpu.memref_squeeze %dma_wait3A_209 : memref<1x32x512xi32, #tpu.memory_space<hbm>> -> memref<32x512xi32, #tpu.memory_space<hbm>>
      %dma_wait3A_211 = arith.constant 0 : i32
      %dma_wait3A_212 = tpu.memref_slice %arg3[%shift_right_logical3A_188, %multiple_of3A_193, %dma_wait3A_211] : memref<32x512x512xi32, #tpu.memory_space<hbm>> -> memref<1x32x512xi32, #tpu.memory_space<hbm>>
      %dma_wait3A_213 = tpu.memref_squeeze %dma_wait3A_212 : memref<1x32x512xi32, #tpu.memory_space<hbm>> -> memref<32x512xi32, #tpu.memory_space<hbm>>
      tpu.wait_dma2 semaphore(%arg13 : memref<!tpu.dma_semaphore, #tpu.memory_space<semaphore_mem>>) src(%dma_wait3A_213 : memref<32x512xi32, #tpu.memory_space<hbm>>) dst(%arg10 : memref<32x512xi32, #tpu.memory_space<vmem>>)
      %scan3A_214 = arith.constant 0 : i32
      %scan3A_215 = arith.constant 1024 : i32
      %scan3A_216 = arith.addi %scan3A_214, %scan3A_215 : i32
      %scan3A_217 = arith.constant 4 : i32
      %scan3A_218:5 = scf.for %scan3A_227 = %scan3A_214 to %scan3A_216 step %scan3A_217 iter_args(%scan3A_228 = %scan3A_175#0, %scan3A_229 = %scan3A_175#1, %scan3A_230 = %scan3A_175#2, %scan3A_231 = %scan3A_175#3, %scan3A_232 = %scan3A_175#4) -> (vector<16xf32>, vector<16xf32>, vector<16xf32>, vector<16xf32>, vector<16xi32>)  : i32 {
        %shift_right_logical3A_233 = arith.constant 5 : i32
        %shift_right_logical3A_234 = arith.shrui %scan3A_227, %shift_right_logical3A_233 : i32
        %and3A_235 = arith.constant 31 : i32
        %and3A_236 = arith.andi %scan3A_227, %and3A_235 : i32
        %shift_left3A_237 = arith.constant 4 : i32
        %shift_left3A_238 = arith.shli %and3A_236, %shift_left3A_237 : i32
        %multiple_of3A_239 = tpu.assume_multiple %shift_left3A_238, 16 : i32
        %get3A = arith.index_cast %shift_right_logical3A_234 : i32 to index
        %get3A_240 = arith.index_cast %multiple_of3A_239 : i32 to index
        %get3A_241 = tpu.vector_load %arg6[%get3A, %get3A_240] {strides = array<i32>} : memref<32x512xf32, #tpu.memory_space<vmem>>, vector<1x16xf32>,
        %get3A_242 = vector.shape_cast %get3A_241 : vector<1x16xf32> to vector<16xf32>
        %get3A_243 = arith.index_cast %shift_right_logical3A_234 : i32 to index
        %get3A_244 = arith.index_cast %multiple_of3A_239 : i32 to index
        %get3A_245 = tpu.vector_load %arg8[%get3A_243, %get3A_244] {strides = array<i32>} : memref<32x512xf32, #tpu.memory_space<vmem>>, vector<1x16xf32>,
        %get3A_246 = vector.shape_cast %get3A_245 : vector<1x16xf32> to vector<16xf32>
        %get3A_247 = arith.index_cast %shift_right_logical3A_234 : i32 to index
        %get3A_248 = arith.index_cast %multiple_of3A_239 : i32 to index
        %get3A_249 = tpu.vector_load %arg10[%get3A_247, %get3A_248] {strides = array<i32>} : memref<32x512xi32, #tpu.memory_space<vmem>>, vector<1x16xi32>,
        %get3A_250 = vector.shape_cast %get3A_249 : vector<1x16xi32> to vector<16xi32>
        %ne3A = arith.constant 0 : i32
        %ne3A_251 = vector.broadcast %ne3A : i32 to vector<16xi32>
        %ne3A_252 = arith.cmpi ne, %get3A_250, %ne3A_251 : vector<16xi32>
        %select_n3A = arith.select %ne3A_252, %get3A_246, %get3A_242 : vector<16xi1>, vector<16xf32>
        %add3A_253 = arith.addf %scan3A_228, %select_n3A : vector<16xf32>
        %select_n3A_254 = arith.select %ne3A_252, %get3A_246, %broadcast_in_dim3A_56 : vector<16xi1>, vector<16xf32>
        %add3A_255 = arith.addf %scan3A_229, %select_n3A_254 : vector<16xf32>
        %mul3A_256 = arith.mulf %get3A_242, %get3A_242 : vector<16xf32>
        %add3A_257 = arith.addf %scan3A_230, %mul3A_256 : vector<16xf32>
        %mul3A_258 = arith.mulf %get3A_246, %get3A_246 : vector<16xf32>
        %add3A_259 = arith.addf %scan3A_231, %mul3A_258 : vector<16xf32>
        %add3A_260 = arith.addi %scan3A_232, %get3A_250 : vector<16xi32>
        %scan3A_261 = arith.constant 1 : i32
        %scan3A_262 = arith.addi %scan3A_227, %scan3A_261 : i32
        %shift_right_logical3A_263 = arith.constant 5 : i32
        %shift_right_logical3A_264 = arith.shrui %scan3A_262, %shift_right_logical3A_263 : i32
        %and3A_265 = arith.constant 31 : i32
        %and3A_266 = arith.andi %scan3A_262, %and3A_265 : i32
        %shift_left3A_267 = arith.constant 4 : i32
        %shift_left3A_268 = arith.shli %and3A_266, %shift_left3A_267 : i32
        %multiple_of3A_269 = tpu.assume_multiple %shift_left3A_268, 16 : i32
        %get3A_270 = arith.index_cast %shift_right_logical3A_264 : i32 to index
        %get3A_271 = arith.index_cast %multiple_of3A_269 : i32 to index
        %get3A_272 = tpu.vector_load %arg6[%get3A_270, %get3A_271] {strides = array<i32>} : memref<32x512xf32, #tpu.memory_space<vmem>>, vector<1x16xf32>,
        %get3A_273 = vector.shape_cast %get3A_272 : vector<1x16xf32> to vector<16xf32>
        %get3A_274 = arith.index_cast %shift_right_logical3A_264 : i32 to index
        %get3A_275 = arith.index_cast %multiple_of3A_269 : i32 to index
        %get3A_276 = tpu.vector_load %arg8[%get3A_274, %get3A_275] {strides = array<i32>} : memref<32x512xf32, #tpu.memory_space<vmem>>, vector<1x16xf32>,
        %get3A_277 = vector.shape_cast %get3A_276 : vector<1x16xf32> to vector<16xf32>
        %get3A_278 = arith.index_cast %shift_right_logical3A_264 : i32 to index
        %get3A_279 = arith.index_cast %multiple_of3A_269 : i32 to index
        %get3A_280 = tpu.vector_load %arg10[%get3A_278, %get3A_279] {strides = array<i32>} : memref<32x512xi32, #tpu.memory_space<vmem>>, vector<1x16xi32>,
        %get3A_281 = vector.shape_cast %get3A_280 : vector<1x16xi32> to vector<16xi32>
        %ne3A_282 = arith.constant 0 : i32
        %ne3A_283 = vector.broadcast %ne3A_282 : i32 to vector<16xi32>
        %ne3A_284 = arith.cmpi ne, %get3A_281, %ne3A_283 : vector<16xi32>
        %select_n3A_285 = arith.select %ne3A_284, %get3A_277, %get3A_273 : vector<16xi1>, vector<16xf32>
        %add3A_286 = arith.addf %add3A_253, %select_n3A_285 : vector<16xf32>
        %select_n3A_287 = arith.select %ne3A_284, %get3A_277, %broadcast_in_dim3A_56 : vector<16xi1>, vector<16xf32>
        %add3A_288 = arith.addf %add3A_255, %select_n3A_287 : vector<16xf32>
        %mul3A_289 = arith.mulf %get3A_273, %get3A_273 : vector<16xf32>
        %add3A_290 = arith.addf %add3A_257, %mul3A_289 : vector<16xf32>
        %mul3A_291 = arith.mulf %get3A_277, %get3A_277 : vector<16xf32>
        %add3A_292 = arith.addf %add3A_259, %mul3A_291 : vector<16xf32>
        %add3A_293 = arith.addi %add3A_260, %get3A_281 : vector<16xi32>
        %scan3A_294 = arith.constant 2 : i32
        %scan3A_295 = arith.addi %scan3A_227, %scan3A_294 : i32
        %shift_right_logical3A_296 = arith.constant 5 : i32
        %shift_right_logical3A_297 = arith.shrui %scan3A_295, %shift_right_logical3A_296 : i32
        %and3A_298 = arith.constant 31 : i32
        %and3A_299 = arith.andi %scan3A_295, %and3A_298 : i32
        %shift_left3A_300 = arith.constant 4 : i32
        %shift_left3A_301 = arith.shli %and3A_299, %shift_left3A_300 : i32
        %multiple_of3A_302 = tpu.assume_multiple %shift_left3A_301, 16 : i32
        %get3A_303 = arith.index_cast %shift_right_logical3A_297 : i32 to index
        %get3A_304 = arith.index_cast %multiple_of3A_302 : i32 to index
        %get3A_305 = tpu.vector_load %arg6[%get3A_303, %get3A_304] {strides = array<i32>} : memref<32x512xf32, #tpu.memory_space<vmem>>, vector<1x16xf32>,
        %get3A_306 = vector.shape_cast %get3A_305 : vector<1x16xf32> to vector<16xf32>
        %get3A_307 = arith.index_cast %shift_right_logical3A_297 : i32 to index
        %get3A_308 = arith.index_cast %multiple_of3A_302 : i32 to index
        %get3A_309 = tpu.vector_load %arg8[%get3A_307, %get3A_308] {strides = array<i32>} : memref<32x512xf32, #tpu.memory_space<vmem>>, vector<1x16xf32>,
        %get3A_310 = vector.shape_cast %get3A_309 : vector<1x16xf32> to vector<16xf32>
        %get3A_311 = arith.index_cast %shift_right_logical3A_297 : i32 to index
        %get3A_312 = arith.index_cast %multiple_of3A_302 : i32 to index
        %get3A_313 = tpu.vector_load %arg10[%get3A_311, %get3A_312] {strides = array<i32>} : memref<32x512xi32, #tpu.memory_space<vmem>>, vector<1x16xi32>,
        %get3A_314 = vector.shape_cast %get3A_313 : vector<1x16xi32> to vector<16xi32>
        %ne3A_315 = arith.constant 0 : i32
        %ne3A_316 = vector.broadcast %ne3A_315 : i32 to vector<16xi32>
        %ne3A_317 = arith.cmpi ne, %get3A_314, %ne3A_316 : vector<16xi32>
        %select_n3A_318 = arith.select %ne3A_317, %get3A_310, %get3A_306 : vector<16xi1>, vector<16xf32>
        %add3A_319 = arith.addf %add3A_286, %select_n3A_318 : vector<16xf32>
        %select_n3A_320 = arith.select %ne3A_317, %get3A_310, %broadcast_in_dim3A_56 : vector<16xi1>, vector<16xf32>
        %add3A_321 = arith.addf %add3A_288, %select_n3A_320 : vector<16xf32>
        %mul3A_322 = arith.mulf %get3A_306, %get3A_306 : vector<16xf32>
        %add3A_323 = arith.addf %add3A_290, %mul3A_322 : vector<16xf32>
        %mul3A_324 = arith.mulf %get3A_310, %get3A_310 : vector<16xf32>
        %add3A_325 = arith.addf %add3A_292, %mul3A_324 : vector<16xf32>
        %add3A_326 = arith.addi %add3A_293, %get3A_314 : vector<16xi32>
        %scan3A_327 = arith.constant 3 : i32
        %scan3A_328 = arith.addi %scan3A_227, %scan3A_327 : i32
        %shift_right_logical3A_329 = arith.constant 5 : i32
        %shift_right_logical3A_330 = arith.shrui %scan3A_328, %shift_right_logical3A_329 : i32
        %and3A_331 = arith.constant 31 : i32
        %and3A_332 = arith.andi %scan3A_328, %and3A_331 : i32
        %shift_left3A_333 = arith.constant 4 : i32
        %shift_left3A_334 = arith.shli %and3A_332, %shift_left3A_333 : i32
        %multiple_of3A_335 = tpu.assume_multiple %shift_left3A_334, 16 : i32
        %get3A_336 = arith.index_cast %shift_right_logical3A_330 : i32 to index
        %get3A_337 = arith.index_cast %multiple_of3A_335 : i32 to index
        %get3A_338 = tpu.vector_load %arg6[%get3A_336, %get3A_337] {strides = array<i32>} : memref<32x512xf32, #tpu.memory_space<vmem>>, vector<1x16xf32>,
        %get3A_339 = vector.shape_cast %get3A_338 : vector<1x16xf32> to vector<16xf32>
        %get3A_340 = arith.index_cast %shift_right_logical3A_330 : i32 to index
        %get3A_341 = arith.index_cast %multiple_of3A_335 : i32 to index
        %get3A_342 = tpu.vector_load %arg8[%get3A_340, %get3A_341] {strides = array<i32>} : memref<32x512xf32, #tpu.memory_space<vmem>>, vector<1x16xf32>,
        %get3A_343 = vector.shape_cast %get3A_342 : vector<1x16xf32> to vector<16xf32>
        %get3A_344 = arith.index_cast %shift_right_logical3A_330 : i32 to index
        %get3A_345 = arith.index_cast %multiple_of3A_335 : i32 to index
        %get3A_346 = tpu.vector_load %arg10[%get3A_344, %get3A_345] {strides = array<i32>} : memref<32x512xi32, #tpu.memory_space<vmem>>, vector<1x16xi32>,
        %get3A_347 = vector.shape_cast %get3A_346 : vector<1x16xi32> to vector<16xi32>
        %ne3A_348 = arith.constant 0 : i32
        %ne3A_349 = vector.broadcast %ne3A_348 : i32 to vector<16xi32>
        %ne3A_350 = arith.cmpi ne, %get3A_347, %ne3A_349 : vector<16xi32>
        %select_n3A_351 = arith.select %ne3A_350, %get3A_343, %get3A_339 : vector<16xi1>, vector<16xf32>
        %add3A_352 = arith.addf %add3A_319, %select_n3A_351 : vector<16xf32>
        %select_n3A_353 = arith.select %ne3A_350, %get3A_343, %broadcast_in_dim3A_56 : vector<16xi1>, vector<16xf32>
        %add3A_354 = arith.addf %add3A_321, %select_n3A_353 : vector<16xf32>
        %mul3A_355 = arith.mulf %get3A_339, %get3A_339 : vector<16xf32>
        %add3A_356 = arith.addf %add3A_323, %mul3A_355 : vector<16xf32>
        %mul3A_357 = arith.mulf %get3A_343, %get3A_343 : vector<16xf32>
        %add3A_358 = arith.addf %add3A_325, %mul3A_357 : vector<16xf32>
        %add3A_359 = arith.addi %add3A_326, %get3A_347 : vector<16xi32>
        scf.yield %add3A_352, %add3A_354, %add3A_356, %add3A_358, %add3A_359 : vector<16xf32>, vector<16xf32>, vector<16xf32>, vector<16xf32>, vector<16xi32>
      }
      %scan3A_219 = arith.constant 1024 : i32
      %add3A_220 = arith.constant 2 : i32
      %add3A_221 = arith.addi %add3A_185, %add3A_220 : i32
      %lt3A_222 = arith.constant 7 : i32
      %lt3A_223 = arith.cmpi slt, %add3A_221, %lt3A_222 : i32
      %convert_element_type3A_224 = arith.extui %lt3A_223 : i1 to i32
      %cond3A_225 = arith.constant 0 : i32
      %cond3A_226 = arith.cmpi ne, %convert_element_type3A_224, %cond3A_225 : i32
      scf.if %cond3A_226 {
        %add3A_227 = arith.constant 2 : i32
        %add3A_228 = arith.addi %add3A_185, %add3A_227 : i32
        %add3A_229 = arith.addi %mul3A_2, %add3A_228 : i32
        %shift_right_logical3A_230 = arith.constant 5 : i32
        %shift_right_logical3A_231 = arith.shrui %add3A_229, %shift_right_logical3A_230 : i32
        %and3A_232 = arith.constant 15 : i32
        %and3A_233 = arith.andi %add3A_229, %and3A_232 : i32
        %shift_left3A_234 = arith.constant 5 : i32
        %shift_left3A_235 = arith.shli %and3A_233, %shift_left3A_234 : i32
        %multiple_of3A_236 = tpu.assume_multiple %shift_left3A_235, 32 : i32
        %dma_start3A_237 = arith.constant 0 : i32
        %dma_start3A_238 = arith.constant 0 : i32
        %dma_start3A_239 = tpu.memref_slice %arg2[%shift_right_logical3A_231, %dma_start3A_237, %multiple_of3A_236, %dma_start3A_238] : memref<32x2x512x512xf32, #tpu.memory_space<hbm>> -> memref<1x1x32x512xf32, #tpu.memory_space<hbm>>
        %dma_start3A_240 = tpu.memref_squeeze %dma_start3A_239 : memref<1x1x32x512xf32, #tpu.memory_space<hbm>> -> memref<32x512xf32, #tpu.memory_space<hbm>>
        %dma_start3A_241 = arith.constant 0 : i32
        %dma_start3A_242 = tpu.memref_slice %arg2[%shift_right_logical3A_231, %dma_start3A_237, %multiple_of3A_236, %dma_start3A_241] : memref<32x2x512x512xf32, #tpu.memory_space<hbm>> -> memref<1x1x32x512xf32, #tpu.memory_space<hbm>>
        %dma_start3A_243 = tpu.memref_squeeze %dma_start3A_242 : memref<1x1x32x512xf32, #tpu.memory_space<hbm>> -> memref<32x512xf32, #tpu.memory_space<hbm>>
        tpu.enqueue_dma source(%dma_start3A_243 : memref<32x512xf32, #tpu.memory_space<hbm>>) target(%arg6 : memref<32x512xf32, #tpu.memory_space<vmem>>) target_semaphore(%arg13 : memref<!tpu.dma_semaphore, #tpu.memory_space<semaphore_mem>>)
        %dma_start3A_244 = arith.constant 1 : i32
        %dma_start3A_245 = arith.constant 0 : i32
        %dma_start3A_246 = tpu.memref_slice %arg2[%shift_right_logical3A_231, %dma_start3A_244, %multiple_of3A_236, %dma_start3A_245] : memref<32x2x512x512xf32, #tpu.memory_space<hbm>> -> memref<1x1x32x512xf32, #tpu.memory_space<hbm>>
        %dma_start3A_247 = tpu.memref_squeeze %dma_start3A_246 : memref<1x1x32x512xf32, #tpu.memory_space<hbm>> -> memref<32x512xf32, #tpu.memory_space<hbm>>
        %dma_start3A_248 = arith.constant 0 : i32
        %dma_start3A_249 = tpu.memref_slice %arg2[%shift_right_logical3A_231, %dma_start3A_244, %multiple_of3A_236, %dma_start3A_248] : memref<32x2x512x512xf32, #tpu.memory_space<hbm>> -> memref<1x1x32x512xf32, #tpu.memory_space<hbm>>
        %dma_start3A_250 = tpu.memref_squeeze %dma_start3A_249 : memref<1x1x32x512xf32, #tpu.memory_space<hbm>> -> memref<32x512xf32, #tpu.memory_space<hbm>>
        tpu.enqueue_dma source(%dma_start3A_250 : memref<32x512xf32, #tpu.memory_space<hbm>>) target(%arg8 : memref<32x512xf32, #tpu.memory_space<vmem>>) target_semaphore(%arg13 : memref<!tpu.dma_semaphore, #tpu.memory_space<semaphore_mem>>)
        %dma_start3A_251 = arith.constant 0 : i32
        %dma_start3A_252 = tpu.memref_slice %arg3[%shift_right_logical3A_231, %multiple_of3A_236, %dma_start3A_251] : memref<32x512x512xi32, #tpu.memory_space<hbm>> -> memref<1x32x512xi32, #tpu.memory_space<hbm>>
        %dma_start3A_253 = tpu.memref_squeeze %dma_start3A_252 : memref<1x32x512xi32, #tpu.memory_space<hbm>> -> memref<32x512xi32, #tpu.memory_space<hbm>>
        %dma_start3A_254 = arith.constant 0 : i32
        %dma_start3A_255 = tpu.memref_slice %arg3[%shift_right_logical3A_231, %multiple_of3A_236, %dma_start3A_254] : memref<32x512x512xi32, #tpu.memory_space<hbm>> -> memref<1x32x512xi32, #tpu.memory_space<hbm>>
        %dma_start3A_256 = tpu.memref_squeeze %dma_start3A_255 : memref<1x32x512xi32, #tpu.memory_space<hbm>> -> memref<32x512xi32, #tpu.memory_space<hbm>>
        tpu.enqueue_dma source(%dma_start3A_256 : memref<32x512xi32, #tpu.memory_space<hbm>>) target(%arg10 : memref<32x512xi32, #tpu.memory_space<vmem>>) target_semaphore(%arg13 : memref<!tpu.dma_semaphore, #tpu.memory_space<semaphore_mem>>)
      } else {
      }
      scf.yield %scan3A_218#0, %scan3A_218#1, %scan3A_218#2, %scan3A_218#3, %scan3A_218#4 : vector<16xf32>, vector<16xf32>, vector<16xf32>, vector<16xf32>, vector<16xi32>
    }
    %scan3A_63 = arith.constant 3 : i32
    %add3A_64 = arith.constant 6 : i32
    %add3A_65 = arith.addi %mul3A_2, %add3A_64 : i32
    %shift_right_logical3A_66 = arith.constant 5 : i32
    %shift_right_logical3A_67 = arith.shrui %add3A_65, %shift_right_logical3A_66 : i32
    %and3A_68 = arith.constant 15 : i32
    %and3A_69 = arith.andi %add3A_65, %and3A_68 : i32
    %shift_left3A_70 = arith.constant 5 : i32
    %shift_left3A_71 = arith.shli %and3A_69, %shift_left3A_70 : i32
    %multiple_of3A_72 = tpu.assume_multiple %shift_left3A_71, 32 : i32
    %dma_wait3A = arith.constant 0 : i32
    %dma_wait3A_73 = arith.constant 0 : i32
    %dma_wait3A_74 = tpu.memref_slice %arg2[%shift_right_logical3A_67, %dma_wait3A, %multiple_of3A_72, %dma_wait3A_73] : memref<32x2x512x512xf32, #tpu.memory_space<hbm>> -> memref<1x1x32x512xf32, #tpu.memory_space<hbm>>
    %dma_wait3A_75 = tpu.memref_squeeze %dma_wait3A_74 : memref<1x1x32x512xf32, #tpu.memory_space<hbm>> -> memref<32x512xf32, #tpu.memory_space<hbm>>
    %dma_wait3A_76 = arith.constant 0 : i32
    %dma_wait3A_77 = tpu.memref_slice %arg2[%shift_right_logical3A_67, %dma_wait3A, %multiple_of3A_72, %dma_wait3A_76] : memref<32x2x512x512xf32, #tpu.memory_space<hbm>> -> memref<1x1x32x512xf32, #tpu.memory_space<hbm>>
    %dma_wait3A_78 = tpu.memref_squeeze %dma_wait3A_77 : memref<1x1x32x512xf32, #tpu.memory_space<hbm>> -> memref<32x512xf32, #tpu.memory_space<hbm>>
    tpu.wait_dma2 semaphore(%arg12 : memref<!tpu.dma_semaphore, #tpu.memory_space<semaphore_mem>>) src(%dma_wait3A_78 : memref<32x512xf32, #tpu.memory_space<hbm>>) dst(%arg5 : memref<32x512xf32, #tpu.memory_space<vmem>>)
    %dma_wait3A_79 = arith.constant 1 : i32
    %dma_wait3A_80 = arith.constant 0 : i32
    %dma_wait3A_81 = tpu.memref_slice %arg2[%shift_right_logical3A_67, %dma_wait3A_79, %multiple_of3A_72, %dma_wait3A_80] : memref<32x2x512x512xf32, #tpu.memory_space<hbm>> -> memref<1x1x32x512xf32, #tpu.memory_space<hbm>>
    %dma_wait3A_82 = tpu.memref_squeeze %dma_wait3A_81 : memref<1x1x32x512xf32, #tpu.memory_space<hbm>> -> memref<32x512xf32, #tpu.memory_space<hbm>>
    %dma_wait3A_83 = arith.constant 0 : i32
    %dma_wait3A_84 = tpu.memref_slice %arg2[%shift_right_logical3A_67, %dma_wait3A_79, %multiple_of3A_72, %dma_wait3A_83] : memref<32x2x512x512xf32, #tpu.memory_space<hbm>> -> memref<1x1x32x512xf32, #tpu.memory_space<hbm>>
    %dma_wait3A_85 = tpu.memref_squeeze %dma_wait3A_84 : memref<1x1x32x512xf32, #tpu.memory_space<hbm>> -> memref<32x512xf32, #tpu.memory_space<hbm>>
    tpu.wait_dma2 semaphore(%arg12 : memref<!tpu.dma_semaphore, #tpu.memory_space<semaphore_mem>>) src(%dma_wait3A_85 : memref<32x512xf32, #tpu.memory_space<hbm>>) dst(%arg7 : memref<32x512xf32, #tpu.memory_space<vmem>>)
    %dma_wait3A_86 = arith.constant 0 : i32
    %dma_wait3A_87 = tpu.memref_slice %arg3[%shift_right_logical3A_67, %multiple_of3A_72, %dma_wait3A_86] : memref<32x512x512xi32, #tpu.memory_space<hbm>> -> memref<1x32x512xi32, #tpu.memory_space<hbm>>
    %dma_wait3A_88 = tpu.memref_squeeze %dma_wait3A_87 : memref<1x32x512xi32, #tpu.memory_space<hbm>> -> memref<32x512xi32, #tpu.memory_space<hbm>>
    %dma_wait3A_89 = arith.constant 0 : i32
    %dma_wait3A_90 = tpu.memref_slice %arg3[%shift_right_logical3A_67, %multiple_of3A_72, %dma_wait3A_89] : memref<32x512x512xi32, #tpu.memory_space<hbm>> -> memref<1x32x512xi32, #tpu.memory_space<hbm>>
    %dma_wait3A_91 = tpu.memref_squeeze %dma_wait3A_90 : memref<1x32x512xi32, #tpu.memory_space<hbm>> -> memref<32x512xi32, #tpu.memory_space<hbm>>
    tpu.wait_dma2 semaphore(%arg12 : memref<!tpu.dma_semaphore, #tpu.memory_space<semaphore_mem>>) src(%dma_wait3A_91 : memref<32x512xi32, #tpu.memory_space<hbm>>) dst(%arg9 : memref<32x512xi32, #tpu.memory_space<vmem>>)
    %scan3A_92 = arith.constant 0 : i32
    %scan3A_93 = arith.constant 1024 : i32
    %scan3A_94 = arith.addi %scan3A_92, %scan3A_93 : i32
    %scan3A_95 = arith.constant 4 : i32
    %scan3A_96:5 = scf.for %scan3A_133 = %scan3A_92 to %scan3A_94 step %scan3A_95 iter_args(%scan3A_134 = %scan3A_62#0, %scan3A_135 = %scan3A_62#1, %scan3A_136 = %scan3A_62#2, %scan3A_137 = %scan3A_62#3, %scan3A_138 = %scan3A_62#4) -> (vector<16xf32>, vector<16xf32>, vector<16xf32>, vector<16xf32>, vector<16xi32>)  : i32 {
      %shift_right_logical3A_139 = arith.constant 5 : i32
      %shift_right_logical3A_140 = arith.shrui %scan3A_133, %shift_right_logical3A_139 : i32
      %and3A_141 = arith.constant 31 : i32
      %and3A_142 = arith.andi %scan3A_133, %and3A_141 : i32
      %shift_left3A_143 = arith.constant 4 : i32
      %shift_left3A_144 = arith.shli %and3A_142, %shift_left3A_143 : i32
      %multiple_of3A_145 = tpu.assume_multiple %shift_left3A_144, 16 : i32
      %get3A = arith.index_cast %shift_right_logical3A_140 : i32 to index
      %get3A_146 = arith.index_cast %multiple_of3A_145 : i32 to index
      %get3A_147 = tpu.vector_load %arg5[%get3A, %get3A_146] {strides = array<i32>} : memref<32x512xf32, #tpu.memory_space<vmem>>, vector<1x16xf32>,
      %get3A_148 = vector.shape_cast %get3A_147 : vector<1x16xf32> to vector<16xf32>
      %get3A_149 = arith.index_cast %shift_right_logical3A_140 : i32 to index
      %get3A_150 = arith.index_cast %multiple_of3A_145 : i32 to index
      %get3A_151 = tpu.vector_load %arg7[%get3A_149, %get3A_150] {strides = array<i32>} : memref<32x512xf32, #tpu.memory_space<vmem>>, vector<1x16xf32>,
      %get3A_152 = vector.shape_cast %get3A_151 : vector<1x16xf32> to vector<16xf32>
      %get3A_153 = arith.index_cast %shift_right_logical3A_140 : i32 to index
      %get3A_154 = arith.index_cast %multiple_of3A_145 : i32 to index
      %get3A_155 = tpu.vector_load %arg9[%get3A_153, %get3A_154] {strides = array<i32>} : memref<32x512xi32, #tpu.memory_space<vmem>>, vector<1x16xi32>,
      %get3A_156 = vector.shape_cast %get3A_155 : vector<1x16xi32> to vector<16xi32>
      %ne3A = arith.constant 0 : i32
      %ne3A_157 = vector.broadcast %ne3A : i32 to vector<16xi32>
      %ne3A_158 = arith.cmpi ne, %get3A_156, %ne3A_157 : vector<16xi32>
      %select_n3A = arith.select %ne3A_158, %get3A_152, %get3A_148 : vector<16xi1>, vector<16xf32>
      %add3A_159 = arith.addf %scan3A_134, %select_n3A : vector<16xf32>
      %select_n3A_160 = arith.select %ne3A_158, %get3A_152, %broadcast_in_dim3A_56 : vector<16xi1>, vector<16xf32>
      %add3A_161 = arith.addf %scan3A_135, %select_n3A_160 : vector<16xf32>
      %mul3A_162 = arith.mulf %get3A_148, %get3A_148 : vector<16xf32>
      %add3A_163 = arith.addf %scan3A_136, %mul3A_162 : vector<16xf32>
      %mul3A_164 = arith.mulf %get3A_152, %get3A_152 : vector<16xf32>
      %add3A_165 = arith.addf %scan3A_137, %mul3A_164 : vector<16xf32>
      %add3A_166 = arith.addi %scan3A_138, %get3A_156 : vector<16xi32>
      %scan3A_167 = arith.constant 1 : i32
      %scan3A_168 = arith.addi %scan3A_133, %scan3A_167 : i32
      %shift_right_logical3A_169 = arith.constant 5 : i32
      %shift_right_logical3A_170 = arith.shrui %scan3A_168, %shift_right_logical3A_169 : i32
      %and3A_171 = arith.constant 31 : i32
      %and3A_172 = arith.andi %scan3A_168, %and3A_171 : i32
      %shift_left3A_173 = arith.constant 4 : i32
      %shift_left3A_174 = arith.shli %and3A_172, %shift_left3A_173 : i32
      %multiple_of3A_175 = tpu.assume_multiple %shift_left3A_174, 16 : i32
      %get3A_176 = arith.index_cast %shift_right_logical3A_170 : i32 to index
      %get3A_177 = arith.index_cast %multiple_of3A_175 : i32 to index
      %get3A_178 = tpu.vector_load %arg5[%get3A_176, %get3A_177] {strides = array<i32>} : memref<32x512xf32, #tpu.memory_space<vmem>>, vector<1x16xf32>,
      %get3A_179 = vector.shape_cast %get3A_178 : vector<1x16xf32> to vector<16xf32>
      %get3A_180 = arith.index_cast %shift_right_logical3A_170 : i32 to index
      %get3A_181 = arith.index_cast %multiple_of3A_175 : i32 to index
      %get3A_182 = tpu.vector_load %arg7[%get3A_180, %get3A_181] {strides = array<i32>} : memref<32x512xf32, #tpu.memory_space<vmem>>, vector<1x16xf32>,
      %get3A_183 = vector.shape_cast %get3A_182 : vector<1x16xf32> to vector<16xf32>
      %get3A_184 = arith.index_cast %shift_right_logical3A_170 : i32 to index
      %get3A_185 = arith.index_cast %multiple_of3A_175 : i32 to index
      %get3A_186 = tpu.vector_load %arg9[%get3A_184, %get3A_185] {strides = array<i32>} : memref<32x512xi32, #tpu.memory_space<vmem>>, vector<1x16xi32>,
      %get3A_187 = vector.shape_cast %get3A_186 : vector<1x16xi32> to vector<16xi32>
      %ne3A_188 = arith.constant 0 : i32
      %ne3A_189 = vector.broadcast %ne3A_188 : i32 to vector<16xi32>
      %ne3A_190 = arith.cmpi ne, %get3A_187, %ne3A_189 : vector<16xi32>
      %select_n3A_191 = arith.select %ne3A_190, %get3A_183, %get3A_179 : vector<16xi1>, vector<16xf32>
      %add3A_192 = arith.addf %add3A_159, %select_n3A_191 : vector<16xf32>
      %select_n3A_193 = arith.select %ne3A_190, %get3A_183, %broadcast_in_dim3A_56 : vector<16xi1>, vector<16xf32>
      %add3A_194 = arith.addf %add3A_161, %select_n3A_193 : vector<16xf32>
      %mul3A_195 = arith.mulf %get3A_179, %get3A_179 : vector<16xf32>
      %add3A_196 = arith.addf %add3A_163, %mul3A_195 : vector<16xf32>
      %mul3A_197 = arith.mulf %get3A_183, %get3A_183 : vector<16xf32>
      %add3A_198 = arith.addf %add3A_165, %mul3A_197 : vector<16xf32>
      %add3A_199 = arith.addi %add3A_166, %get3A_187 : vector<16xi32>
      %scan3A_200 = arith.constant 2 : i32
      %scan3A_201 = arith.addi %scan3A_133, %scan3A_200 : i32
      %shift_right_logical3A_202 = arith.constant 5 : i32
      %shift_right_logical3A_203 = arith.shrui %scan3A_201, %shift_right_logical3A_202 : i32
      %and3A_204 = arith.constant 31 : i32
      %and3A_205 = arith.andi %scan3A_201, %and3A_204 : i32
      %shift_left3A_206 = arith.constant 4 : i32
      %shift_left3A_207 = arith.shli %and3A_205, %shift_left3A_206 : i32
      %multiple_of3A_208 = tpu.assume_multiple %shift_left3A_207, 16 : i32
      %get3A_209 = arith.index_cast %shift_right_logical3A_203 : i32 to index
      %get3A_210 = arith.index_cast %multiple_of3A_208 : i32 to index
      %get3A_211 = tpu.vector_load %arg5[%get3A_209, %get3A_210] {strides = array<i32>} : memref<32x512xf32, #tpu.memory_space<vmem>>, vector<1x16xf32>,
      %get3A_212 = vector.shape_cast %get3A_211 : vector<1x16xf32> to vector<16xf32>
      %get3A_213 = arith.index_cast %shift_right_logical3A_203 : i32 to index
      %get3A_214 = arith.index_cast %multiple_of3A_208 : i32 to index
      %get3A_215 = tpu.vector_load %arg7[%get3A_213, %get3A_214] {strides = array<i32>} : memref<32x512xf32, #tpu.memory_space<vmem>>, vector<1x16xf32>,
      %get3A_216 = vector.shape_cast %get3A_215 : vector<1x16xf32> to vector<16xf32>
      %get3A_217 = arith.index_cast %shift_right_logical3A_203 : i32 to index
      %get3A_218 = arith.index_cast %multiple_of3A_208 : i32 to index
      %get3A_219 = tpu.vector_load %arg9[%get3A_217, %get3A_218] {strides = array<i32>} : memref<32x512xi32, #tpu.memory_space<vmem>>, vector<1x16xi32>,
      %get3A_220 = vector.shape_cast %get3A_219 : vector<1x16xi32> to vector<16xi32>
      %ne3A_221 = arith.constant 0 : i32
      %ne3A_222 = vector.broadcast %ne3A_221 : i32 to vector<16xi32>
      %ne3A_223 = arith.cmpi ne, %get3A_220, %ne3A_222 : vector<16xi32>
      %select_n3A_224 = arith.select %ne3A_223, %get3A_216, %get3A_212 : vector<16xi1>, vector<16xf32>
      %add3A_225 = arith.addf %add3A_192, %select_n3A_224 : vector<16xf32>
      %select_n3A_226 = arith.select %ne3A_223, %get3A_216, %broadcast_in_dim3A_56 : vector<16xi1>, vector<16xf32>
      %add3A_227 = arith.addf %add3A_194, %select_n3A_226 : vector<16xf32>
      %mul3A_228 = arith.mulf %get3A_212, %get3A_212 : vector<16xf32>
      %add3A_229 = arith.addf %add3A_196, %mul3A_228 : vector<16xf32>
      %mul3A_230 = arith.mulf %get3A_216, %get3A_216 : vector<16xf32>
      %add3A_231 = arith.addf %add3A_198, %mul3A_230 : vector<16xf32>
      %add3A_232 = arith.addi %add3A_199, %get3A_220 : vector<16xi32>
      %scan3A_233 = arith.constant 3 : i32
      %scan3A_234 = arith.addi %scan3A_133, %scan3A_233 : i32
      %shift_right_logical3A_235 = arith.constant 5 : i32
      %shift_right_logical3A_236 = arith.shrui %scan3A_234, %shift_right_logical3A_235 : i32
      %and3A_237 = arith.constant 31 : i32
      %and3A_238 = arith.andi %scan3A_234, %and3A_237 : i32
      %shift_left3A_239 = arith.constant 4 : i32
      %shift_left3A_240 = arith.shli %and3A_238, %shift_left3A_239 : i32
      %multiple_of3A_241 = tpu.assume_multiple %shift_left3A_240, 16 : i32
      %get3A_242 = arith.index_cast %shift_right_logical3A_236 : i32 to index
      %get3A_243 = arith.index_cast %multiple_of3A_241 : i32 to index
      %get3A_244 = tpu.vector_load %arg5[%get3A_242, %get3A_243] {strides = array<i32>} : memref<32x512xf32, #tpu.memory_space<vmem>>, vector<1x16xf32>,
      %get3A_245 = vector.shape_cast %get3A_244 : vector<1x16xf32> to vector<16xf32>
      %get3A_246 = arith.index_cast %shift_right_logical3A_236 : i32 to index
      %get3A_247 = arith.index_cast %multiple_of3A_241 : i32 to index
      %get3A_248 = tpu.vector_load %arg7[%get3A_246, %get3A_247] {strides = array<i32>} : memref<32x512xf32, #tpu.memory_space<vmem>>, vector<1x16xf32>,
      %get3A_249 = vector.shape_cast %get3A_248 : vector<1x16xf32> to vector<16xf32>
      %get3A_250 = arith.index_cast %shift_right_logical3A_236 : i32 to index
      %get3A_251 = arith.index_cast %multiple_of3A_241 : i32 to index
      %get3A_252 = tpu.vector_load %arg9[%get3A_250, %get3A_251] {strides = array<i32>} : memref<32x512xi32, #tpu.memory_space<vmem>>, vector<1x16xi32>,
      %get3A_253 = vector.shape_cast %get3A_252 : vector<1x16xi32> to vector<16xi32>
      %ne3A_254 = arith.constant 0 : i32
      %ne3A_255 = vector.broadcast %ne3A_254 : i32 to vector<16xi32>
      %ne3A_256 = arith.cmpi ne, %get3A_253, %ne3A_255 : vector<16xi32>
      %select_n3A_257 = arith.select %ne3A_256, %get3A_249, %get3A_245 : vector<16xi1>, vector<16xf32>
      %add3A_258 = arith.addf %add3A_225, %select_n3A_257 : vector<16xf32>
      %select_n3A_259 = arith.select %ne3A_256, %get3A_249, %broadcast_in_dim3A_56 : vector<16xi1>, vector<16xf32>
      %add3A_260 = arith.addf %add3A_227, %select_n3A_259 : vector<16xf32>
      %mul3A_261 = arith.mulf %get3A_245, %get3A_245 : vector<16xf32>
      %add3A_262 = arith.addf %add3A_229, %mul3A_261 : vector<16xf32>
      %mul3A_263 = arith.mulf %get3A_249, %get3A_249 : vector<16xf32>
      %add3A_264 = arith.addf %add3A_231, %mul3A_263 : vector<16xf32>
      %add3A_265 = arith.addi %add3A_232, %get3A_253 : vector<16xi32>
      scf.yield %add3A_258, %add3A_260, %add3A_262, %add3A_264, %add3A_265 : vector<16xf32>, vector<16xf32>, vector<16xf32>, vector<16xf32>, vector<16xi32>
    }
    %scan3A_97 = arith.constant 1024 : i32
    %convert_element_type3A = arith.sitofp %scan3A_96#4 : vector<16xi32> to vector<16xf32>
    %swap3A = arith.constant 0 : i32
    %swap3A_98 = arith.index_cast %swap3A : i32 to index
    %swap3A_99 = arith.constant 0 : index
    %swap3A_100 = tpu.vector_load %arg11[%swap3A_98, %swap3A_99] {strides = array<i32>} : memref<6x16xf32, #tpu.memory_space<vmem>>, vector<1x16xf32>,
    %swap3A_101 = vector.shape_cast %swap3A_100 : vector<1x16xf32> to vector<16xf32>
    %swap3A_102 = vector.shape_cast %scan3A_96#0 : vector<16xf32> to vector<1x16xf32>
    tpu.vector_store %arg11[%swap3A_98, %swap3A_99], %swap3A_102 {strides = array<i32>} : memref<6x16xf32, #tpu.memory_space<vmem>>, vector<1x16xf32>,
    %swap3A_103 = arith.constant 1 : i32
    %swap3A_104 = arith.index_cast %swap3A_103 : i32 to index
    %swap3A_105 = arith.constant 0 : index
    %swap3A_106 = tpu.vector_load %arg11[%swap3A_104, %swap3A_105] {strides = array<i32>} : memref<6x16xf32, #tpu.memory_space<vmem>>, vector<1x16xf32>,
    %swap3A_107 = vector.shape_cast %swap3A_106 : vector<1x16xf32> to vector<16xf32>
    %swap3A_108 = vector.shape_cast %scan3A_96#1 : vector<16xf32> to vector<1x16xf32>
    tpu.vector_store %arg11[%swap3A_104, %swap3A_105], %swap3A_108 {strides = array<i32>} : memref<6x16xf32, #tpu.memory_space<vmem>>, vector<1x16xf32>,
    %swap3A_109 = arith.constant 2 : i32
    %swap3A_110 = arith.index_cast %swap3A_109 : i32 to index
    %swap3A_111 = arith.constant 0 : index
    %swap3A_112 = tpu.vector_load %arg11[%swap3A_110, %swap3A_111] {strides = array<i32>} : memref<6x16xf32, #tpu.memory_space<vmem>>, vector<1x16xf32>,
    %swap3A_113 = vector.shape_cast %swap3A_112 : vector<1x16xf32> to vector<16xf32>
    %swap3A_114 = vector.shape_cast %scan3A_96#2 : vector<16xf32> to vector<1x16xf32>
    tpu.vector_store %arg11[%swap3A_110, %swap3A_111], %swap3A_114 {strides = array<i32>} : memref<6x16xf32, #tpu.memory_space<vmem>>, vector<1x16xf32>,
    %swap3A_115 = arith.constant 3 : i32
    %swap3A_116 = arith.index_cast %swap3A_115 : i32 to index
    %swap3A_117 = arith.constant 0 : index
    %swap3A_118 = tpu.vector_load %arg11[%swap3A_116, %swap3A_117] {strides = array<i32>} : memref<6x16xf32, #tpu.memory_space<vmem>>, vector<1x16xf32>,
    %swap3A_119 = vector.shape_cast %swap3A_118 : vector<1x16xf32> to vector<16xf32>
    %swap3A_120 = vector.shape_cast %scan3A_96#3 : vector<16xf32> to vector<1x16xf32>
    tpu.vector_store %arg11[%swap3A_116, %swap3A_117], %swap3A_120 {strides = array<i32>} : memref<6x16xf32, #tpu.memory_space<vmem>>, vector<1x16xf32>,
    %swap3A_121 = arith.constant 4 : i32
    %swap3A_122 = arith.index_cast %swap3A_121 : i32 to index
    %swap3A_123 = arith.constant 0 : index
    %swap3A_124 = tpu.vector_load %arg11[%swap3A_122, %swap3A_123] {strides = array<i32>} : memref<6x16xf32, #tpu.memory_space<vmem>>, vector<1x16xf32>,
    %swap3A_125 = vector.shape_cast %swap3A_124 : vector<1x16xf32> to vector<16xf32>
    %swap3A_126 = vector.shape_cast %convert_element_type3A : vector<16xf32> to vector<1x16xf32>
    tpu.vector_store %arg11[%swap3A_122, %swap3A_123], %swap3A_126 {strides = array<i32>} : memref<6x16xf32, #tpu.memory_space<vmem>>, vector<1x16xf32>,
    %swap3A_127 = arith.constant 5 : i32
    %swap3A_128 = arith.index_cast %swap3A_127 : i32 to index
    %swap3A_129 = arith.constant 0 : index
    %swap3A_130 = tpu.vector_load %arg11[%swap3A_128, %swap3A_129] {strides = array<i32>} : memref<6x16xf32, #tpu.memory_space<vmem>>, vector<1x16xf32>,
    %swap3A_131 = vector.shape_cast %swap3A_130 : vector<1x16xf32> to vector<16xf32>
    %swap3A_132 = vector.shape_cast %broadcast_in_dim3A_56 : vector<16xf32> to vector<1x16xf32>
    tpu.vector_store %arg11[%swap3A_128, %swap3A_129], %swap3A_132 {strides = array<i32>} : memref<6x16xf32, #tpu.memory_space<vmem>>, vector<1x16xf32>,
    "tpu.region"() ({
      %run_scoped3A = tpu.sem_alloc : memref<!tpu.dma_semaphore, #tpu.memory_space<semaphore_mem>>
      %dma_start3A_133 = arith.constant 0 : i32
      %dma_start3A_134 = arith.constant 0 : i32
      %dma_start3A_135 = tpu.memref_slice %arg4[%add3A, %dma_start3A_133, %dma_start3A_134] : memref<32x6x16xf32, #tpu.memory_space<hbm>> -> memref<1x6x16xf32, #tpu.memory_space<hbm>>
      %dma_start3A_136 = tpu.memref_squeeze %dma_start3A_135 : memref<1x6x16xf32, #tpu.memory_space<hbm>> -> memref<6x16xf32, #tpu.memory_space<hbm>>
      %dma_start3A_137 = arith.constant 0 : i32
      %dma_start3A_138 = arith.constant 0 : i32
      %dma_start3A_139 = tpu.memref_slice %arg4[%add3A, %dma_start3A_137, %dma_start3A_138] : memref<32x6x16xf32, #tpu.memory_space<hbm>> -> memref<1x6x16xf32, #tpu.memory_space<hbm>>
      %dma_start3A_140 = tpu.memref_squeeze %dma_start3A_139 : memref<1x6x16xf32, #tpu.memory_space<hbm>> -> memref<6x16xf32, #tpu.memory_space<hbm>>
      tpu.enqueue_dma source(%arg11 : memref<6x16xf32, #tpu.memory_space<vmem>>) target(%dma_start3A_140 : memref<6x16xf32, #tpu.memory_space<hbm>>) target_semaphore(%run_scoped3A : memref<!tpu.dma_semaphore, #tpu.memory_space<semaphore_mem>>)
      %dma_wait3A_141 = arith.constant 0 : i32
      %dma_wait3A_142 = arith.constant 0 : i32
      %dma_wait3A_143 = tpu.memref_slice %arg4[%add3A, %dma_wait3A_141, %dma_wait3A_142] : memref<32x6x16xf32, #tpu.memory_space<hbm>> -> memref<1x6x16xf32, #tpu.memory_space<hbm>>
      %dma_wait3A_144 = tpu.memref_squeeze %dma_wait3A_143 : memref<1x6x16xf32, #tpu.memory_space<hbm>> -> memref<6x16xf32, #tpu.memory_space<hbm>>
      %dma_wait3A_145 = arith.constant 0 : i32
      %dma_wait3A_146 = arith.constant 0 : i32
      %dma_wait3A_147 = tpu.memref_slice %arg4[%add3A, %dma_wait3A_145, %dma_wait3A_146] : memref<32x6x16xf32, #tpu.memory_space<hbm>> -> memref<1x6x16xf32, #tpu.memory_space<hbm>>
      %dma_wait3A_148 = tpu.memref_squeeze %dma_wait3A_147 : memref<1x6x16xf32, #tpu.memory_space<hbm>> -> memref<6x16xf32, #tpu.memory_space<hbm>>
      tpu.wait_dma2 semaphore(%run_scoped3A : memref<!tpu.dma_semaphore, #tpu.memory_space<semaphore_mem>>) src(%arg11 : memref<6x16xf32, #tpu.memory_space<vmem>>) dst(%dma_wait3A_148 : memref<6x16xf32, #tpu.memory_space<hbm>>)
      tpu.yield
    }) : () -> ()
    return
  }
}

module attributes {stable_mosaic.version = 14 : i64} {
  func.func @_dice_tc_body(%arg0: i32, %arg1: memref<1x2x512x512xf32, #tpu.memory_space<vmem>>, %arg2: memref<1x512x512xi32, #tpu.memory_space<vmem>>, %arg3: memref<5x8x128xf32, #tpu.memory_space<vmem>>) attributes {dimension_semantics = [#tpu.dimension_semantics<arbitrary>], iteration_bounds = array<i64: 17>, scalar_prefetch = 0 : i64, scratch_operands = 0 : i64, tpu.core_type = #tpu.core_type<tc>, window_params = [{transform_indices = @transform_0, window_bounds = array<i64: 1, 2, 512, 512>}, {transform_indices = @transform_1, window_bounds = array<i64: 1, 512, 512>}, {pipeline_mode = #tpu.pipeline_mode<synchronous>, transform_indices = @transform_2, window_bounds = array<i64: 5, 8, 128>}]} {
    %eq3A = arith.constant 0 : i32
    %eq3A_0 = arith.cmpi eq, %arg0, %eq3A : i32
    %convert_element_type3A = arith.extui %eq3A_0 : i1 to i32
    %cond3A = arith.constant 0 : i32
    %cond3A_1 = arith.cmpi ne, %convert_element_type3A, %cond3A : i32
    scf.if %cond3A_1 {
      %broadcast_in_dim3A_64 = arith.constant 0.000000e+00 : f32
      %broadcast_in_dim3A_65 = vector.broadcast %broadcast_in_dim3A_64 : f32 to vector<5x8x128xf32>
      %swap3A_66 = arith.constant 0 : index
      %swap3A_67 = arith.constant 0 : index
      %swap3A_68 = arith.constant 0 : index
      %swap3A_69 = vector.load %arg3[%swap3A_66, %swap3A_67, %swap3A_68] : memref<5x8x128xf32, #tpu.memory_space<vmem>>, vector<5x8x128xf32>
      tpu.vector_store %arg3[%swap3A_66, %swap3A_67, %swap3A_68], %broadcast_in_dim3A_65 {strides = array<i32>} : memref<5x8x128xf32, #tpu.memory_space<vmem>>, vector<5x8x128xf32>,
    } else {
    }
    %get3A = arith.constant 0 : index
    %get3A_2 = arith.constant 0 : index
    %get3A_3 = arith.constant 0 : index
    %get3A_4 = arith.constant 0 : index
    %get3A_5 = vector.load %arg1[%get3A, %get3A_2, %get3A_3, %get3A_4] : memref<1x2x512x512xf32, #tpu.memory_space<vmem>>, vector<1x1x512x512xf32>
    %get3A_6 = vector.shape_cast %get3A_5 : vector<1x1x512x512xf32> to vector<512x512xf32>
    %get3A_7 = arith.constant 0 : index
    %get3A_8 = arith.constant 1 : index
    %get3A_9 = arith.constant 0 : index
    %get3A_10 = arith.constant 0 : index
    %get3A_11 = vector.load %arg1[%get3A_7, %get3A_8, %get3A_9, %get3A_10] : memref<1x2x512x512xf32, #tpu.memory_space<vmem>>, vector<1x1x512x512xf32>
    %get3A_12 = vector.shape_cast %get3A_11 : vector<1x1x512x512xf32> to vector<512x512xf32>
    %get3A_13 = arith.constant 0 : index
    %get3A_14 = arith.constant 0 : index
    %get3A_15 = arith.constant 0 : index
    %get3A_16 = vector.load %arg2[%get3A_13, %get3A_14, %get3A_15] : memref<1x512x512xi32, #tpu.memory_space<vmem>>, vector<1x512x512xi32>
    %get3A_17 = vector.shape_cast %get3A_16 : vector<1x512x512xi32> to vector<512x512xi32>
    %ne3A = arith.constant 0 : i32
    %ne3A_18 = vector.broadcast %ne3A : i32 to vector<512x512xi32>
    %ne3A_19 = arith.cmpi ne, %get3A_17, %ne3A_18 : vector<512x512xi32>
    %select_n3A = arith.select %ne3A_19, %get3A_12, %get3A_6 : vector<512x512xi1>, vector<512x512xf32>
    %reduce_sum3A = vector.shape_cast %select_n3A : vector<512x512xf32> to vector<1x512x512xf32>
    %reduce_sum3A_20 = arith.constant dense<0.000000e+00> : vector<1xf32>
    %reduce_sum3A_21 = vector.multi_reduction <add>, %reduce_sum3A, %reduce_sum3A_20 [1, 2] : vector<1x512x512xf32> to vector<1xf32>
    %reduce_sum3A_22 = vector.shape_cast %reduce_sum3A_21 : vector<1xf32> to vector<1x1x1xf32>
    %reduce_sum3A_23 = vector.extract %reduce_sum3A_22[0, 0, 0] : f32 from vector<1x1x1xf32>
    %jit3A = arith.constant 0.000000e+00 : f32
    %broadcast_in_dim3A = vector.broadcast %jit3A : f32 to vector<512x512xf32>
    %select_n3A_24 = arith.select %ne3A_19, %get3A_12, %broadcast_in_dim3A : vector<512x512xi1>, vector<512x512xf32>
    %reduce_sum3A_25 = vector.shape_cast %select_n3A_24 : vector<512x512xf32> to vector<1x512x512xf32>
    %reduce_sum3A_26 = arith.constant dense<0.000000e+00> : vector<1xf32>
    %reduce_sum3A_27 = vector.multi_reduction <add>, %reduce_sum3A_25, %reduce_sum3A_26 [1, 2] : vector<1x512x512xf32> to vector<1xf32>
    %reduce_sum3A_28 = vector.shape_cast %reduce_sum3A_27 : vector<1xf32> to vector<1x1x1xf32>
    %reduce_sum3A_29 = vector.extract %reduce_sum3A_28[0, 0, 0] : f32 from vector<1x1x1xf32>
    %mul3A = arith.mulf %get3A_6, %get3A_6 : vector<512x512xf32>
    %reduce_sum3A_30 = vector.shape_cast %mul3A : vector<512x512xf32> to vector<1x512x512xf32>
    %reduce_sum3A_31 = arith.constant dense<0.000000e+00> : vector<1xf32>
    %reduce_sum3A_32 = vector.multi_reduction <add>, %reduce_sum3A_30, %reduce_sum3A_31 [1, 2] : vector<1x512x512xf32> to vector<1xf32>
    %reduce_sum3A_33 = vector.shape_cast %reduce_sum3A_32 : vector<1xf32> to vector<1x1x1xf32>
    %reduce_sum3A_34 = vector.extract %reduce_sum3A_33[0, 0, 0] : f32 from vector<1x1x1xf32>
    %mul3A_35 = arith.mulf %get3A_12, %get3A_12 : vector<512x512xf32>
    %reduce_sum3A_36 = vector.shape_cast %mul3A_35 : vector<512x512xf32> to vector<1x512x512xf32>
    %reduce_sum3A_37 = arith.constant dense<0.000000e+00> : vector<1xf32>
    %reduce_sum3A_38 = vector.multi_reduction <add>, %reduce_sum3A_36, %reduce_sum3A_37 [1, 2] : vector<1x512x512xf32> to vector<1xf32>
    %reduce_sum3A_39 = vector.shape_cast %reduce_sum3A_38 : vector<1xf32> to vector<1x1x1xf32>
    %reduce_sum3A_40 = vector.extract %reduce_sum3A_39[0, 0, 0] : f32 from vector<1x1x1xf32>
    %reduce_sum3A_41 = vector.shape_cast %get3A_17 : vector<512x512xi32> to vector<1x512x512xi32>
    %reduce_sum3A_42 = arith.constant dense<0> : vector<1xi32>
    %reduce_sum3A_43 = vector.multi_reduction <add>, %reduce_sum3A_41, %reduce_sum3A_42 [1, 2] : vector<1x512x512xi32> to vector<1xi32>
    %reduce_sum3A_44 = vector.shape_cast %reduce_sum3A_43 : vector<1xi32> to vector<1x1x1xi32>
    %reduce_sum3A_45 = vector.extract %reduce_sum3A_44[0, 0, 0] : i32 from vector<1x1x1xi32>
    %convert_element_type3A_46 = arith.sitofp %reduce_sum3A_45 : i32 to f32
    %broadcast_in_dim3A_47 = vector.broadcast %reduce_sum3A_23 : f32 to vector<8x128xf32>
    %broadcast_in_dim3A_48 = vector.broadcast %reduce_sum3A_29 : f32 to vector<8x128xf32>
    %broadcast_in_dim3A_49 = vector.broadcast %reduce_sum3A_34 : f32 to vector<8x128xf32>
    %broadcast_in_dim3A_50 = vector.broadcast %reduce_sum3A_40 : f32 to vector<8x128xf32>
    %broadcast_in_dim3A_51 = vector.broadcast %convert_element_type3A_46 : f32 to vector<8x128xf32>
    %stack3A = vector.shape_cast %broadcast_in_dim3A_47 : vector<8x128xf32> to vector<1x8x128xf32>
    %stack3A_52 = vector.shape_cast %broadcast_in_dim3A_48 : vector<8x128xf32> to vector<1x8x128xf32>
    %stack3A_53 = vector.shape_cast %broadcast_in_dim3A_49 : vector<8x128xf32> to vector<1x8x128xf32>
    %stack3A_54 = vector.shape_cast %broadcast_in_dim3A_50 : vector<8x128xf32> to vector<1x8x128xf32>
    %stack3A_55 = vector.shape_cast %broadcast_in_dim3A_51 : vector<8x128xf32> to vector<1x8x128xf32>
    %stack3A_56 = tpu.concatenate %stack3A, %stack3A_52, %stack3A_53, %stack3A_54, %stack3A_55 in 0 : vector<1x8x128xf32>, vector<1x8x128xf32>, vector<1x8x128xf32>, vector<1x8x128xf32>, vector<1x8x128xf32> -> vector<5x8x128xf32>
    %get3A_57 = arith.constant 0 : index
    %get3A_58 = arith.constant 0 : index
    %get3A_59 = arith.constant 0 : index
    %get3A_60 = vector.load %arg3[%get3A_57, %get3A_58, %get3A_59] : memref<5x8x128xf32, #tpu.memory_space<vmem>>, vector<5x8x128xf32>
    %add3A = arith.addf %get3A_60, %stack3A_56 : vector<5x8x128xf32>
    %swap3A = arith.constant 0 : index
    %swap3A_61 = arith.constant 0 : index
    %swap3A_62 = arith.constant 0 : index
    %swap3A_63 = vector.load %arg3[%swap3A, %swap3A_61, %swap3A_62] : memref<5x8x128xf32, #tpu.memory_space<vmem>>, vector<5x8x128xf32>
    tpu.vector_store %arg3[%swap3A, %swap3A_61, %swap3A_62], %add3A {strides = array<i32>} : memref<5x8x128xf32, #tpu.memory_space<vmem>>, vector<5x8x128xf32>,
    return
  }
  func.func @transform_0(%arg0: i32) -> (i32, i32, i32, i32) {
    %add3A = arith.constant 15 : i32
    %add3A_0 = arith.addi %arg0, %add3A : i32
    %c0_i32 = arith.constant 0 : i32
    %c0_i32_1 = arith.constant 0 : i32
    %c0_i32_2 = arith.constant 0 : i32
    %c0_i32_3 = arith.constant 0 : i32
    return %add3A_0, %c0_i32, %c0_i32_1, %c0_i32_2 : i32, i32, i32, i32
  }
  func.func @transform_1(%arg0: i32) -> (i32, i32, i32) {
    %add3A = arith.constant 15 : i32
    %add3A_0 = arith.addi %arg0, %add3A : i32
    %c0_i32 = arith.constant 0 : i32
    %c0_i32_1 = arith.constant 0 : i32
    %c0_i32_2 = arith.constant 0 : i32
    return %add3A_0, %c0_i32, %c0_i32_1 : i32, i32, i32
  }
  func.func @transform_2(%arg0: i32) -> (i32, i32, i32) {
    %c0_i32 = arith.constant 0 : i32
    %c0_i32_0 = arith.constant 0 : i32
    %c0_i32_1 = arith.constant 0 : i32
    %c0_i32_2 = arith.constant 0 : i32
    return %c0_i32, %c0_i32_0, %c0_i32_1 : i32, i32, i32
  }
}

module attributes {stable_mosaic.version = 14 : i64} {
  func.func @_dice_combine_body(%arg0: memref<1xf32, #tpu.memory_space<smem>>, %arg1: memref<32x6x16xf32, #tpu.memory_space<vmem>>, %arg2: memref<5x8x128xf32, #tpu.memory_space<vmem>>, %arg3: memref<1x1xf32, #tpu.memory_space<smem>>) attributes {dimension_semantics = [], scalar_prefetch = 0 : i64, scratch_operands = 0 : i64, tpu.core_type = #tpu.core_type<tc>} {
    %get3A = arith.constant 0 : index
    %get3A_0 = arith.constant 0 : index
    %get3A_1 = arith.constant 0 : index
    %get3A_2 = vector.load %arg1[%get3A, %get3A_0, %get3A_1] : memref<32x6x16xf32, #tpu.memory_space<vmem>>, vector<32x6x16xf32>
    %get3A_3 = arith.constant 0 : index
    %get3A_4 = arith.constant 0 : index
    %get3A_5 = arith.constant 0 : index
    %get3A_6 = vector.load %arg2[%get3A_3, %get3A_4, %get3A_5] : memref<5x8x128xf32, #tpu.memory_space<vmem>>, vector<5x8x128xf32>
    %slice3A = vector.extract_strided_slice %get3A_2 {offsets = [0, 0, 0], sizes = [32, 1, 16], strides = [1, 1, 1]} : vector<32x6x16xf32> to vector<32x1x16xf32>
    %squeeze3A = vector.shape_cast %slice3A : vector<32x1x16xf32> to vector<32x16xf32>
    %reduce_sum3A = vector.shape_cast %squeeze3A : vector<32x16xf32> to vector<1x32x16xf32>
    %reduce_sum3A_7 = arith.constant dense<0.000000e+00> : vector<1xf32>
    %reduce_sum3A_8 = vector.multi_reduction <add>, %reduce_sum3A, %reduce_sum3A_7 [1, 2] : vector<1x32x16xf32> to vector<1xf32>
    %reduce_sum3A_9 = vector.shape_cast %reduce_sum3A_8 : vector<1xf32> to vector<1x1x1xf32>
    %reduce_sum3A_10 = vector.extract %reduce_sum3A_9[0, 0, 0] : f32 from vector<1x1x1xf32>
    %slice3A_11 = vector.extract_strided_slice %get3A_6 {offsets = [0, 0, 0], sizes = [1, 1, 1], strides = [1, 1, 1]} : vector<5x8x128xf32> to vector<1x1x1xf32>
    %squeeze3A_12 = vector.extract %slice3A_11[0, 0, 0] : f32 from vector<1x1x1xf32>
    %add3A = arith.addf %reduce_sum3A_10, %squeeze3A_12 : f32
    %slice3A_13 = vector.extract_strided_slice %get3A_2 {offsets = [0, 1, 0], sizes = [32, 1, 16], strides = [1, 1, 1]} : vector<32x6x16xf32> to vector<32x1x16xf32>
    %squeeze3A_14 = vector.shape_cast %slice3A_13 : vector<32x1x16xf32> to vector<32x16xf32>
    %reduce_sum3A_15 = vector.shape_cast %squeeze3A_14 : vector<32x16xf32> to vector<1x32x16xf32>
    %reduce_sum3A_16 = arith.constant dense<0.000000e+00> : vector<1xf32>
    %reduce_sum3A_17 = vector.multi_reduction <add>, %reduce_sum3A_15, %reduce_sum3A_16 [1, 2] : vector<1x32x16xf32> to vector<1xf32>
    %reduce_sum3A_18 = vector.shape_cast %reduce_sum3A_17 : vector<1xf32> to vector<1x1x1xf32>
    %reduce_sum3A_19 = vector.extract %reduce_sum3A_18[0, 0, 0] : f32 from vector<1x1x1xf32>
    %slice3A_20 = vector.extract_strided_slice %get3A_6 {offsets = [1, 0, 0], sizes = [1, 1, 1], strides = [1, 1, 1]} : vector<5x8x128xf32> to vector<1x1x1xf32>
    %squeeze3A_21 = vector.extract %slice3A_20[0, 0, 0] : f32 from vector<1x1x1xf32>
    %add3A_22 = arith.addf %reduce_sum3A_19, %squeeze3A_21 : f32
    %slice3A_23 = vector.extract_strided_slice %get3A_2 {offsets = [0, 2, 0], sizes = [32, 1, 16], strides = [1, 1, 1]} : vector<32x6x16xf32> to vector<32x1x16xf32>
    %squeeze3A_24 = vector.shape_cast %slice3A_23 : vector<32x1x16xf32> to vector<32x16xf32>
    %reduce_sum3A_25 = vector.shape_cast %squeeze3A_24 : vector<32x16xf32> to vector<1x32x16xf32>
    %reduce_sum3A_26 = arith.constant dense<0.000000e+00> : vector<1xf32>
    %reduce_sum3A_27 = vector.multi_reduction <add>, %reduce_sum3A_25, %reduce_sum3A_26 [1, 2] : vector<1x32x16xf32> to vector<1xf32>
    %reduce_sum3A_28 = vector.shape_cast %reduce_sum3A_27 : vector<1xf32> to vector<1x1x1xf32>
    %reduce_sum3A_29 = vector.extract %reduce_sum3A_28[0, 0, 0] : f32 from vector<1x1x1xf32>
    %slice3A_30 = vector.extract_strided_slice %get3A_6 {offsets = [2, 0, 0], sizes = [1, 1, 1], strides = [1, 1, 1]} : vector<5x8x128xf32> to vector<1x1x1xf32>
    %squeeze3A_31 = vector.extract %slice3A_30[0, 0, 0] : f32 from vector<1x1x1xf32>
    %add3A_32 = arith.addf %reduce_sum3A_29, %squeeze3A_31 : f32
    %slice3A_33 = vector.extract_strided_slice %get3A_2 {offsets = [0, 3, 0], sizes = [32, 1, 16], strides = [1, 1, 1]} : vector<32x6x16xf32> to vector<32x1x16xf32>
    %squeeze3A_34 = vector.shape_cast %slice3A_33 : vector<32x1x16xf32> to vector<32x16xf32>
    %reduce_sum3A_35 = vector.shape_cast %squeeze3A_34 : vector<32x16xf32> to vector<1x32x16xf32>
    %reduce_sum3A_36 = arith.constant dense<0.000000e+00> : vector<1xf32>
    %reduce_sum3A_37 = vector.multi_reduction <add>, %reduce_sum3A_35, %reduce_sum3A_36 [1, 2] : vector<1x32x16xf32> to vector<1xf32>
    %reduce_sum3A_38 = vector.shape_cast %reduce_sum3A_37 : vector<1xf32> to vector<1x1x1xf32>
    %reduce_sum3A_39 = vector.extract %reduce_sum3A_38[0, 0, 0] : f32 from vector<1x1x1xf32>
    %slice3A_40 = vector.extract_strided_slice %get3A_6 {offsets = [3, 0, 0], sizes = [1, 1, 1], strides = [1, 1, 1]} : vector<5x8x128xf32> to vector<1x1x1xf32>
    %squeeze3A_41 = vector.extract %slice3A_40[0, 0, 0] : f32 from vector<1x1x1xf32>
    %add3A_42 = arith.addf %reduce_sum3A_39, %squeeze3A_41 : f32
    %slice3A_43 = vector.extract_strided_slice %get3A_2 {offsets = [0, 4, 0], sizes = [32, 1, 16], strides = [1, 1, 1]} : vector<32x6x16xf32> to vector<32x1x16xf32>
    %squeeze3A_44 = vector.shape_cast %slice3A_43 : vector<32x1x16xf32> to vector<32x16xf32>
    %reduce_sum3A_45 = vector.shape_cast %squeeze3A_44 : vector<32x16xf32> to vector<1x32x16xf32>
    %reduce_sum3A_46 = arith.constant dense<0.000000e+00> : vector<1xf32>
    %reduce_sum3A_47 = vector.multi_reduction <add>, %reduce_sum3A_45, %reduce_sum3A_46 [1, 2] : vector<1x32x16xf32> to vector<1xf32>
    %reduce_sum3A_48 = vector.shape_cast %reduce_sum3A_47 : vector<1xf32> to vector<1x1x1xf32>
    %reduce_sum3A_49 = vector.extract %reduce_sum3A_48[0, 0, 0] : f32 from vector<1x1x1xf32>
    %slice3A_50 = vector.extract_strided_slice %get3A_6 {offsets = [4, 0, 0], sizes = [1, 1, 1], strides = [1, 1, 1]} : vector<5x8x128xf32> to vector<1x1x1xf32>
    %squeeze3A_51 = vector.extract %slice3A_50[0, 0, 0] : f32 from vector<1x1x1xf32>
    %add3A_52 = arith.addf %reduce_sum3A_49, %squeeze3A_51 : f32
    %get3A_53 = arith.constant 0 : index
    %get3A_54 = memref.load %arg0[%get3A_53] : memref<1xf32, #tpu.memory_space<smem>>
    %sub3A = arith.subf %add3A, %add3A_22 : f32
    %mul3A = arith.constant 2.000000e+00 : f32
    %mul3A_55 = arith.mulf %mul3A, %sub3A : f32
    %add3A_56 = arith.addf %mul3A_55, %get3A_54 : f32
    %sub3A_57 = arith.constant 0x4B000000 : f32
    %sub3A_58 = arith.subf %sub3A_57, %add3A_52 : f32
    %add3A_59 = arith.addf %add3A_32, %sub3A_58 : f32
    %add3A_60 = arith.addf %add3A_59, %get3A_54 : f32
    %div3A = arith.divf %add3A_56, %add3A_60 : f32
    %sub3A_61 = arith.constant 1.000000e+00 : f32
    %sub3A_62 = arith.subf %sub3A_61, %div3A : f32
    %mul3A_63 = arith.constant 2.000000e+00 : f32
    %mul3A_64 = arith.mulf %mul3A_63, %add3A_22 : f32
    %add3A_65 = arith.addf %mul3A_64, %get3A_54 : f32
    %add3A_66 = arith.addf %add3A_42, %add3A_52 : f32
    %add3A_67 = arith.addf %add3A_66, %get3A_54 : f32
    %div3A_68 = arith.divf %add3A_65, %add3A_67 : f32
    %sub3A_69 = arith.constant 1.000000e+00 : f32
    %sub3A_70 = arith.subf %sub3A_69, %div3A_68 : f32
    %add3A_71 = arith.addf %sub3A_62, %sub3A_70 : f32
    %mul3A_72 = arith.constant 5.000000e-01 : f32
    %mul3A_73 = arith.mulf %add3A_71, %mul3A_72 : f32
    %swap3A = arith.constant 0 : index
    %swap3A_74 = arith.constant 0 : index
    %swap3A_75 = memref.load %arg3[%swap3A, %swap3A_74] : memref<1x1xf32, #tpu.memory_space<smem>>
    memref.store %mul3A_73, %arg3[%swap3A, %swap3A_74] : memref<1x1xf32, #tpu.memory_space<smem>>
    return
  }
}

</mosaic_0001>

<sc_bundles>
// kernel: kernel.5.cloned.1.call-start
scs
__scs_entry_jumppad:
0x0: {  	(pc) =	sbr.rel $0x88, $3  }
0x1: {  	(tag) =	ssettag $0x0;
	lr =	simm.s32 $0x1  }
0x2: {  	[smem:$0x3F9E] =	sst lr;
	_ =	strace $0xD0000000  }
0x3: {  	_ = 	snop  }
0x4: {  	_ = 	snop  }
0x5: {  	_ = 	snop  }
0x6: {  	_ = 	snop  }
0x7: {  	_ = 	snop  }
__scs_overlays_trampoline_lowered:
0x8: {  	[smem:$0x3FAD] =	sst s0  }
0x9: {  	[smem:$0x3FAE] =	sst s1  }
0xa: {  	[smem:$0x3FAF] =	sst s2  }
0xb: {  	[smem:$0x3FB0] =	sst s3  }
0xc: {  	[smem:$0x3FB1] =	sst s4  }
0xd: {  	[smem:$0x3FB2] =	sst s5  }
0xe: {  	[smem:$0x3FB3] =	sst s6  }
0xf: {  	[smem:$0x3FB4] =	sst s7  }
0x10: {  	[smem:$0x3FB5] =	sst s8  }
0x11: {  	[smem:$0x3FB6] =	sst s9;
	s0 =	simm.s32 @!p0 $0x0  }
0x12: {  	s1 =	sld [smem:$0x3F9C];
	s0 =	simm.s32 @p0 $0x1  }
0x13: {  	[smem:$0x3FB7] =	sst s0;
	s0 =	simm.s32 @!p1 $0x0  }
0x14: {  	s2 =	sld [smem:$0x3F9B];
	s0 =	simm.s32 @p1 $0x1  }
0x15: {  	[smem:$0x3FB8] =	sst s0;
	s0 =	simm.s32 @!p2 $0x0  }
0x16: {  	s3 =	sld [smem:$0x3FDB];
	s0 =	simm.s32 @p2 $0x1  }
0x17: {  	s4 =	simm.s32 $0x1BF5;
	[smem:$0x3FBA] =	sst s0  }
0x18: {  	s0 =	sld [smem:$0x3F9D];
	_ =	swait.ge [sflag:s4], $0x0  }
0x19: {  	s7 =	sld [smem:$0x3F9E]  }
0x1a: {  	s8 =	sadd.s32 $0xFFFFE003, lr  }
0x1b: {  	s9 =	sadd.s32 $0xFFFFFEF7, lr;
	s5 =	simm.s32 $0xFFFFFFFF;
	p2 =	slt.u32 s8, $0xFFFFF086  }
0x1c: {  	p1 =	slt.u32 s9, $0xF7A;
	s5 =	simm.s32 @!p2 $0x0  }
0x1d: {  	s5 =	simm.s32 @p1 $0x1;
	p0 =	seq.s32 s7, s2  }
0x1e: {  	s7 =	smul.u32 @!p0 $0xF7A, s2;
	p2 =	seq.s32 @!p0 s5, $0x0  }
0x1f: {  	s9 =	smul.u32 $0xF7A, s1;
	s8 =	simm.s32 @!p0 $0x1BF5;
	p2 =	por !p2, p0  }
0x20: {  	[sflag:s8] =	ssyncset.s32 @!p0 $0xFFFFF086;
	s6 =	sadd.s32 @!p0 s3, s7;
	s7 =	simm.s32 @!p0 $0x108  }
0x21: {  	s3 =	sadd.s32 s3, s9;
	s6 =	sadd.s32 @!p0 $0x88, s6;
	s7 =	simm.s32 @p2 $0x1082  }
0x22: {  	[simem:s7], [sflag:s8] =	dma.local @!p0 [hbm:s6], $0xF7A  }
0x23: {  	s9 =	sor.u32 $0xD0000000, s2;
	s6 =	simm.s32 $0x108;
	_ =	swait.ge @!p0 [sflag:s8], $0x0  }
0x24: {  	s3 =	sadd.s32 $0x88, s3;
	s6 =	simm.s32 @!p1 $0x1082;
	[sflag:s4] =	ssyncset.s32 $0xFFFFF086  }
0x25: {  	[simem:s6], [sflag:s4] =	dma.local [hbm:s3], $0xF7A  }
0x26: {  	[smem:$0x3F9E] =	sst s1;
	(tag) =	ssettag s2;
	_ =	strace s9  }
0x27: {  	s1 =	sld [smem:$0x3FAE]  }
0x28: {  	s2 =	sld [smem:$0x3FAF]  }
0x29: {  	s4 =	sld [smem:$0x3FB1]  }
0x2a: {  	p0 =	seq.s32 s5, $0x0;
	s5 =	sld [smem:$0x3FB2]  }
0x2b: {  	s6 =	sld [smem:$0x3FB3]  }
0x2c: {  	s7 =	sld [smem:$0x3FB4]  }
0x2d: {  	s3 =	simm.s32 $0x108;
	s8 =	sld [smem:$0x3FB5]  }
0x2e: {  	s3 =	simm.s32 @!p0 $0x1082;
	s9 =	sld [smem:$0x3FB6]  }
0x2f: {  	lr =	sadd.s32 s0, s3;
	s0 =	sld [smem:$0x3FAD]  }
0x30: {  	s3 =	sld [smem:$0x3FB0]  }
0x31: {  	[smem:$0x3FB9] =	sst s10  }
0x32: {  	s10 =	sld [smem:$0x3FB7];
	_ =	sdelay $0x3  }
0x33: {  	p0 =	seq.s32 s10, $0x1;
	s10 =	sld [smem:$0x3FB9];
	_ =	sdelay $0x3  }
0x34: {  	[smem:$0x3FB9] =	sst s10  }
0x35: {  	s10 =	sld [smem:$0x3FB8];
	_ =	sdelay $0x3  }
0x36: {  	p1 =	seq.s32 s10, $0x1;
	s10 =	sld [smem:$0x3FB9];
	_ =	sdelay $0x3  }
0x37: {  	[smem:$0x3FB9] =	sst s10  }
0x38: {  	s10 =	sld [smem:$0x3FBA]  }
0x39: {  	_ = 	snop;
	(pc) =	sbr.ind lr, $3  }
0x3a: {  	_ = 	snop  }
0x3b: {  	_ = 	snop  }
0x3c: {  	p2 =	seq.s32 s10, $0x1;
	s10 =	sld [smem:$0x3FB9]  }
0x3d: {  	_ =	shalt  }
0x3e: {  	_ =	shalt  }
0x3f: {  	_ =	shalt  }
0x40: {  	_ =	shalt  }
0x41: {  	_ =	shalt  }
0x42: {  	_ =	shalt  }
0x43: {  	_ =	shalt  }
0x44: {  	_ =	shalt  }
0x45: {  	_ =	shalt  }
0x46: {  	_ =	shalt  }
0x47: {  	_ =	shalt  }
0x48: {  	_ =	shalt  }
0x49: {  	_ =	shalt  }
0x4a: {  	_ =	shalt  }
0x4b: {  	_ =	shalt  }
0x4c: {  	_ =	shalt  }
0x4d: {  	_ =	shalt  }
0x4e: {  	_ =	shalt  }
0x4f: {  	_ =	shalt  }
0x50: {  	_ =	shalt  }
0x51: {  	_ =	shalt  }
0x52: {  	_ =	shalt  }
0x53: {  	_ =	shalt  }
0x54: {  	_ =	shalt  }
0x55: {  	_ =	shalt  }
0x56: {  	_ =	shalt  }
0x57: {  	_ =	shalt  }
0x58: {  	_ =	shalt  }
0x59: {  	_ =	shalt  }
0x5a: {  	_ =	shalt  }
0x5b: {  	_ =	shalt  }
0x5c: {  	_ =	shalt  }
0x5d: {  	_ =	shalt  }
0x5e: {  	_ =	shalt  }
0x5f: {  	_ =	shalt  }
0x60: {  	_ =	shalt  }
0x61: {  	_ =	shalt  }
0x62: {  	_ =	shalt  }
0x63: {  	_ =	shalt  }
0x64: {  	_ =	shalt  }
0x65: {  	_ =	shalt  }
0x66: {  	_ =	shalt  }
0x67: {  	_ =	shalt  }
0x68: {  	_ =	shalt  }
0x69: {  	_ =	shalt  }
0x6a: {  	_ =	shalt  }
0x6b: {  	_ =	shalt  }
0x6c: {  	_ =	shalt  }
0x6d: {  	_ =	shalt  }
0x6e: {  	_ =	shalt  }
0x6f: {  	_ =	shalt  }
0x70: {  	_ =	shalt  }
0x71: {  	_ =	shalt  }
0x72: {  	_ =	shalt  }
0x73: {  	_ =	shalt  }
0x74: {  	_ =	shalt  }
0x75: {  	_ =	shalt  }
0x76: {  	_ =	shalt  }
0x77: {  	_ =	shalt  }
0x78: {  	_ =	shalt  }
0x79: {  	_ =	shalt  }
0x7a: {  	_ =	shalt  }
0x7b: {  	_ =	shalt  }
0x7c: {  	_ =	shalt  }
0x7d: {  	_ =	shalt  }
0x7e: {  	_ =	shalt  }
0x7f: {  	_ =	shalt  }
0x80: {  	_ =	shalt  }
0x81: {  	_ =	shalt  }
0x82: {  	_ =	shalt  }
0x83: {  	_ =	shalt  }
0x84: {  	_ =	shalt  }
0x85: {  	_ =	shalt  }
0x86: {  	_ =	shalt  }
0x87: {  	_ =	shalt  }
.Lfunc_end0:
.L_simem_size_0:
called_computation_lowered:
.L_overlay_start_0:
0x88: {  	s2 =	sld [smem:$0x3FD9]  }
0x89: {  	s3 =	sld [smem:$0x3FFE];
	_ =	sdelay $0x1  }
0x8a: {  	s1 =	srdreg.scid  }
0x8b: {  	s0 =	sand.u32 $0x1, s1  }
0x8c: {  	s17 =	sshll.u32 s0, $0xA;
	s2 =	sadd.s32 s3, s2  }
0x8d: {  	s2 =	sadd.s32 s2, s17  }
0x8e: {  	[smem:$0x3FC5] =	sst s2  }
0x8f: {  	_ = 	snop  }
0x90: {  	s2 =	sld [smem:$0x3FC9]  }
0x91: {  	s18 =	sld [smem:$0x3FC8];
	(tm) =	ssettm $0x1  }
0x92: {  	s4 =	sld [smem:$0x3FFB];
	_ =	sdelay $0x3  }
0x93: {  	_ =	strace s4  }
0x94: {  	s4 =	sld [smem:$0x3FFC];
	_ =	sdelay $0x3  }
0x95: {  	_ =	strace s4  }
0x96: {  	s4 =	sld [smem:$0x3FFD];
	_ =	sdelay $0x3  }
0x97: {  	_ =	strace s4  }
0x98: {  	_ =	strace $0x8FFFFFFF  }
0x99: {  	s19 =	sld [smem:$0x3FDB];
	_ =	sdelay $0x1  }
0x9a: {  	s5 =	simm.s32 $_scs_section_size  }
0x9b: {  	s6 =	simm.s32 $_size__tile_overlayer_lowered;
	s7 =	simm.s32 $_tile_overlayer_lowered  }
0x9c: {  	s22 =	simm.s32 $0x1BFF;
	s21 =	sshll.u32 s7, $0x1;
	s4 =	sadd.s32 s5, s19  }
0x9d: {  	s8 =	simm.s32 $0x0;
	s20 =	sshll.u32 s6, $0x1;
	s6 =	sadd.s32 s21, s4  }
0x9e: {  	[timem:s8], [sflag:s22] =	dma.local [hbm:s6], s20  }
0x9f: {  	_ =	swait.ge [sflag:s22], s20  }
0xa0: {  	s5 =	ssub.s32 $0x0, s20;
	[sflag:s22] =	ssyncset.done $0x0  }
0xa1: {  	[sflag:s22] =	ssyncadd.s32 s5;
	_ =	sdelay $0x1  }
0xa2: {  	s23 =	simm.s32 $0x1B8B  }
0xa3: {  	_ =	swait.ge [sflag:s23], $0x1  }
0xa4: {  	[sflag:s23] =	ssyncset.done $0x0  }
0xa5: {  	s25 =	simm.s32 $0x1B8E;
	s24 =	sld [smem:$0x3FFE];
	[sflag:s23] =	ssyncadd.s32 $0xFFFFFFFF  }
0xa6: {  	s26 =	simm.s32 $execute0_lowered;
	[smem:$0x3FD2] =	sst s25  }
0xa7: {  	s6 =	sshll.u32 s26, $0x1;
	_ =	strace $0x80000046;
	[dreg:$0x1] =	wrdreg $0xFFFFFFFF  }
0xa8: {  	s28 =	simm.s32 $_size_execute0_lowered;
	s4 =	sadd.s32 s4, s6;
	[dreg:$0x0] =	wrdreg $0x0  }
0xa9: {  	s6 =	sshll.u32 s28, $0x1;
	[dreg:$0x2] =	wrdreg s4  }
0xaa: {  	[dreg:$0x3] =	wrdreg s6  }
0xab: {  	[dreg:$0x4] =	wrdreg $0xC0  }
0xac: {  	_ =	task [dreg:s8], $0x5FFFF  }
0xad: {  	[dreg:$0x1] =	wrdreg $0xFFFFFFFF  }
0xae: {  	[dreg:$0x0] =	wrdreg $0x60  }
0xaf: {  	[dreg:$0x2] =	wrdreg s2  }
0xb0: {  	[dreg:$0x3] =	wrdreg s18  }
0xb1: {  	[dreg:$0x4] =	wrdreg s24  }
0xb2: {  	[dreg:$0x5] =	wrdreg $0x9  }
0xb3: {  	_ =	task.clear_ibuf [dreg:s8], $0x6FFFF;
	_ =	strace $0x90000046  }
0xb4: {  	s29 =	simm.s32 $0x9;
	_ =	strace $0x80000048  }
0xb5: {  	_ =	swait.ge [sflag:s29], $0x1  }
0xb6: {  	[sflag:s29] =	ssyncadd.s32 $0xFFFFFFFF  }
0xb7: {  	_ =	strace $0x90000048  }
0xb8: {  	_ =	sfence  }
0xb9: {  	s30 =	sld [smem:$0x0];
	_ =	sdelay $0x2  }
0xba: {  	s31 =	sshll.u32 s1, $0xD;
	s1 =	sshrl.u32 s1, $0x2  }
0xbb: {  	s3 =	sand.u32 $0x4000, s31;
	s1 =	sadd.s32 s1, s30  }
0xbc: {  	s0 =	sor.u32 s3, s0;
	s1 =	sshll.u32 s1, $0x11  }
0xbd: {  	s0 =	sor.u32 s1, s0  }
0xbe: {  	s0 =	sadd.s32 $0x8F2B, s0  }
0xbf: {  	[sflag:s0] =	ssyncadd.remote.s32 $0x1  }
0xc0: {  	_ =	sfence.sel $0xFFFF  }
0xc1: {  	[dreg:$0x0] =	wrdreg $0xFFFFFFFF;
	(pc) =	sbr.abs _section_cstart, $3  }
0xc2: {  	[dreg:$0x1] =	wrdreg $0xFFFFFFFF  }
0xc3: {  	_ =	task.clear_ibuf [dreg:s8], $0x2FFFF;
	_ =	strace $0x9FFFFFFF  }
0xc4: {  	(tm) =	ssettm $0x7FFFFFFF  }
0xc5: {  	_ =	shalt  }
tec
execute0_lowered:
.L_overlay_start_1:
0x0: {  	(tag) =	ssettag $0x1  }
0x1: {  	s1 =	rddreg [dreg:$0x0]  }
0x2: {  	s0 =	srdreg.scid;
	s3 =	rddreg [dreg:$0x1]  }
0x3: {  	s2 =	stileid.u32;
	s5 =	rddreg [dreg:$0x2];
	s4 =	simm.s32 $0x0  }
0x4: {  	s16 =	simm.s32 $0x8000;
	s17 =	simm.s32 $0x10000;
	s18 =	simm.s32 $0x4000  }
0x5: {  	s19 =	simm.s32 $0xC000;
	s20 =	simm.s32 $0x14000;
	s21 =	simm.s32 $0x1  }
0x6: {  	s22 =	simm.s32 $0x2;
	s0 =	sand.u32 $0x1, s0;
	s2 =	sshll.u32 s2, $0x1  }
0x7: {  	s24 =	simm.s32 $0x3;
	s25 =	simm.s32 $0x0;
	s2 =	sor.u32 s0, s2  }
0x8: {  	[smem:$0x7FF] =	sst s4;
	s0 =	ssub.s32 $0x2, s0;
	s13 =	smul.u32 $0x7, s2  }
0x9: {  	s6 =	smul.u32 $0x1C000, s2;
	s2 =	sshll.u32 s2, $0x7;
	s29 =	sshrl.u32 s0, $0x1  }
0xa: {  	_ =	strace $0x80000047;
	s2 =	sadd.s32 s2, s5;
	s0 =	ssub.s32 s0, s29  }
0xb: {  	s5 =	sadd.s32 $0x8000, s1;
	s8 =	sshrl.u32 s13, $0x5;
	s9 =	sand.u32 $0x3C000, s6  }
0xc: {  	s10 =	sadd.s32 $0x1, s13;
	s12 =	sadd.s32 $0x2, s13;
	s13 =	sadd.s32 $0x3, s13  }
0xd: {  	s14 =	sadd.s32 $0x600, s2;
	s15 =	smax.u32 s0, $0x1;
	s7 =	sshll.u32 s8, $0x13  }
0xe: {  	s8 =	sshll.u32 s8, $0x12;
	s11 =	sshrl.u32 s10, $0x5;
	s10 =	sshll.u32 s10, $0xE  }
0xf: {  	s6 =	sor.u32 s9, s7;
	s8 =	sor.u32 s9, s8;
	s30 =	sand.u32 $0x3C000, s10  }
0x10: {  	s31 =	sshll.u32 s11, $0x13;
	s11 =	sshll.u32 s11, $0x12;
	s7 =	sshrl.u32 s6, $0x3  }
0x11: {  	s8 =	sshrl.u32 s8, $0x3;
	s10 =	sor.u32 s30, s31;
	s11 =	sor.u32 s30, s11  }
0x12: {  	s6 =	sadd.s32 s1, s7;
	s7 =	sadd.s32 s7, s5;
	s8 =	sadd.s32 s3, s8  }
0x13: {  	s10 =	sshrl.u32 s10, $0x3;
	s11 =	sshrl.u32 s11, $0x3;
	[dreg:$0x4] =	wrdreg s6  }
0x14: {  	v0 =	vimm.f32 $0.0e+00;
	s9 =	sadd.s32 s1, s10;
	s10 =	sadd.s32 s10, s5;
	s11 =	sadd.s32 s3, s11  }
.LBB2_1:
0x15: {  	s0 =	rddreg [dreg:$0x4]  }
0x16: {  	[tilespmem:s4], [sflag:$0x1] =	stream.linear.gather [hbm4b:s0+s4], $0x4000, $0x38;
	[tilespmem:$0x18400] =	vst v63  }
0x17: {  	_ = 	snop  }
0x18: {  	[tilespmem:s16], [sflag:$0x1] =	stream.linear.gather [hbm4b:s7+s4], $0x4000, $0x38;
	[tilespmem:$0x18400] =	vst v63  }
0x19: {  	_ = 	snop  }
0x1a: {  	[tilespmem:s17], [sflag:$0x1] =	stream.linear.gather [hbm4b:s8+s4], $0x4000, $0x38;
	[tilespmem:$0x18400] =	vst v63  }
0x1b: {  	_ = 	snop  }
0x1c: {  	[tilespmem:s18], [sflag:$0x2] =	stream.linear.gather [hbm4b:s9+s4], $0x4000, $0x38;
	[tilespmem:$0x18400] =	vst v63  }
0x1d: {  	_ = 	snop  }
0x1e: {  	[tilespmem:s19], [sflag:$0x2] =	stream.linear.gather [hbm4b:s10+s4], $0x4000, $0x38;
	[tilespmem:$0x18400] =	vst v63  }
0x1f: {  	v5 =	vimm.s32 $0x0;
	v9 =	vimm.f32 $0.0e+00;
	s26 =	simm.s32 $0x0  }
0x20: {  	v10 =	vimm.f32 $0.0e+00;
	v11 =	vimm.f32 $0.0e+00;
	v14 =	vimm.f32 $0.0e+00;
	[tilespmem:s20], [sflag:$0x2] =	stream.linear.gather [hbm4b:s11+s4], $0x4000, $0x38;
	[tilespmem:$0x18400] =	vst v63  }
.LBB2_2:
0x21: {  	_ =	swait.ge [sflag:s21], $0x4000  }
0x22: {  	[sflag:s21] =	ssyncset.done $0x0  }
0x23: {  	[sflag:s21] =	ssyncadd.s32 $0xFFFFC000  }
0x24: {  	_ =	swait.ge [sflag:s21], $0x4000  }
0x25: {  	s0 =	simm.s32 $0x0;
	[sflag:s21] =	ssyncset.done $0x0  }
0x26: {  	s2 =	sand.u32 $0x3000, s0;
	s28 =	sand.u32 $0xC00, s0;
	[sflag:s21] =	ssyncadd.s32 $0xFFFFC000  }
0x27: {  	s2 =	sor.u32 s28, s2;
	s28 =	sand.u32 $0x380, s0;
	_ =	swait.ge [sflag:s21], $0x4000  }
0x28: {  	s0 =	sand.u32 $0x40, s0;
	s2 =	sor.u32 s28, s2;
	[sflag:s21] =	ssyncset.done $0x0  }
0x29: {  	s0 =	sor.u32 s0, s2;
	[sflag:s21] =	ssyncadd.s32 $0xFFFFC000  }
0x2a: {  	v4 =	vld [tilespmem:s0+$0x30]  }
0x2b: {  	v6 =	vld [tilespmem:s0+$0x8030]  }
0x2c: {  	v2 =	vld [tilespmem:s0+$0x10030]  }
0x2d: {  	v15 =	vld [tilespmem:s0+$0x20]  }
0x2e: {  	v16 =	vld [tilespmem:s0+$0x8020]  }
0x2f: {  	v3 =	vld [tilespmem:s0+$0x10020]  }
0x30: {  	v17 =	vld [tilespmem:s0+$0x10]  }
0x31: {  	v18 =	vld [tilespmem:s0+$0x8010]  }
0x32: {  	v23 =	vld [tilespmem:s0+$0x10010]  }
0x33: {  	v20 =	vld [tilespmem:s0+$0x0]  }
0x34: {  	s6 =	simm.s32 $0x200;
	s29 =	simm.s32 $0x40;
	v21 =	vld [tilespmem:s0+$0x10000]  }
0x35: {  	s30 =	sand.u32 $0x3000, s29;
	s28 =	simm.s32 $0x10;
	s2 =	sand.u32 $0xC00, s6;
	v22 =	vld [tilespmem:s0+$0x8000]  }
0x36: {  	s2 =	sor.u32 s2, s30;
	s30 =	sand.u32 $0x380, s28  }
0x37: {  	s23 =	sand.u32 $0x40, s29;
	s2 =	sor.u32 s30, s2;
	vm1 =	veq.s32 v2, $0x0;
	v12 =	vmul.f32 v4, v4;
	v13 =	vmul.f32 v6, v6  }
0x38: {  	s29 =	sor.u32 s23, s2;
	vm0 =	veq.s32 v3, $0x0;
	v24 =	vmul.f32 v15, v15;
	v26 =	vmul.f32 v16, v16  }
0x39: {  	v7 =	vld [tilespmem:s29+$0x30];
	vm2 =	veq.s32 v23, $0x0;
	v25 =	vmul.f32 v17, v17;
	v27 =	vmul.f32 v18, v18  }
0x3a: {  	v8 =	vld [tilespmem:s29+$0x8030];
	vm3 =	veq.s32 v21, $0x0;
	v28 =	vmul.f32 v20, v20;
	v29 =	vmul.f32 v22, v22  }
0x3b: {  	v1 =	vld [tilespmem:s29+$0x10030];
	v5 =	vadd.s32 v5, v21;
	v30 =	vsel vm3, v20, v22;
	v22 =	vsel vm3, $0x0, v22  }
0x3c: {  	v19 =	vsel vm1, v4, v6;
	v4 =	vld [tilespmem:s29+$0x20];
	v20 =	vsel vm1, $0x0, v6;
	v22 =	vadd.f32 v22, v11  }
0x3d: {  	v6 =	vld [tilespmem:s29+$0x8020];
	v14 =	vadd.f32 v30, v14;
	v28 =	vadd.f32 v28, v10;
	v10 =	vsel vm2, $0x0, v18  }
0x3e: {  	v17 =	vsel vm2, v17, v18;
	v11 =	vld [tilespmem:s29+$0x10020];
	v29 =	vadd.f32 v29, v9;
	v18 =	vadd.f32 v10, v22  }
0x3f: {  	v15 =	vsel vm0, v15, v16;
	v16 =	vsel vm0, $0x0, v16;
	v9 =	vld [tilespmem:s29+$0x10];
	v17 =	vadd.f32 v17, v14  }
0x40: {  	v10 =	vld [tilespmem:s29+$0x8010];
	v28 =	vadd.f32 v25, v28;
	v27 =	vadd.f32 v27, v29  }
0x41: {  	v14 =	vld [tilespmem:s29+$0x10010];
	v25 =	vadd.s32 v23, v5;
	v5 =	vmovc v7;
	v21 =	vadd.f32 v15, v17;
	v22 =	vadd.f32 v16, v18  }
0x42: {  	s31 =	simm.s32 $0x400;
	s30 =	simm.s32 $0x4;
	s2 =	simm.s32 $0x80;
	v17 =	vld [tilespmem:s29+$0x0];
	v23 =	vadd.f32 v24, v28;
	v24 =	vadd.f32 v26, v27;
	v15 =	vmovc v8;
	v16 =	vmovc v4;
	v18 =	vmov v6  }
.LBB2_3:
0x43: {  	s0 =	sand.u32 $0x3000, s2;
	s23 =	sand.u32 $0xC00, s31;
	v26 =	vld [tilespmem:s29+$0x10000];
	s28 =	sadd.s32 $0x10, s28;
	v25 =	vadd.s32 v3, v25;
	v21 =	vadd.f32 v19, v21;
	v22 =	vadd.f32 v20, v22;
	v3 =	vmovc v11  }
0x44: {  	s0 =	sor.u32 s23, s0;
	s23 =	sand.u32 $0x380, s28;
	v11 =	vld [tilespmem:s29+$0x8000];
	v23 =	vadd.f32 v12, v23;
	v24 =	vadd.f32 v13, v24;
	v25 =	vadd.s32 v2, v25;
	v2 =	vmovc v1  }
0x45: {  	s29 =	sand.u32 $0x40, s2;
	s0 =	sor.u32 s23, s0;
	vm1 =	veq.s32 v2, $0x0  }
0x46: {  	vm0 =	veq.s32 v3, $0x0;
	v12 =	vmul.f32 v5, v7;
	v13 =	vmul.f32 v15, v8;
	s29 =	sor.u32 s29, s0;
	v27 =	vmovc v14  }
0x47: {  	v28 =	vmul.f32 v16, v4;
	v29 =	vmul.f32 v18, v6;
	v5 =	vld [tilespmem:s29+$0x30];
	vm2 =	veq.s32 v27, $0x0  }
0x48: {  	v30 =	vmul.f32 v10, v10;
	v14 =	vmul.f32 v9, v9;
	v15 =	vld [tilespmem:s29+$0x8030];
	vm3 =	veq.s32 v26, $0x0  }
0x49: {  	v19 =	vsel vm1, v7, v8;
	v31 =	vmul.f32 v17, v17;
	v1 =	vld [tilespmem:s29+$0x10030];
	v32 =	vmul.f32 v11, v11  }
0x4a: {  	s30 =	sadd.s32 $0x4, s30;
	v20 =	vsel vm1, $0x0, v8;
	v33 =	vsel vm3, v17, v11;
	v11 =	vsel vm3, $0x0, v11;
	v16 =	vld [tilespmem:s29+$0x20]  }
0x4b: {  	p0 =	slt.u32 s30, $0x3FC;
	v33 =	vadd.f32 v33, v21;
	v17 =	vadd.f32 v11, v22;
	v21 =	vsel vm2, v9, v10;
	v18 =	vld [tilespmem:s29+$0x8020]  }
.Ltmp0:
0x4c: {  	v22 =	vadd.f32 v31, v23;
	v10 =	vsel vm2, $0x0, v10;
	v23 =	vadd.f32 v32, v24;
	v11 =	vld [tilespmem:s29+$0x10020];
	v7 =	vmovc v5;
	(pc) =	sbr.rel @p0 .LBB2_3-.Ltmp0, $4  }
0x4d: {  	v31 =	vsel vm0, v4, v6;
	v21 =	vadd.f32 v21, v33;
	v17 =	vadd.f32 v10, v17;
	v9 =	vld [tilespmem:s29+$0x10];
	v8 =	vmovc v15  }
0x4e: {  	v32 =	vsel vm0, $0x0, v6;
	v24 =	vadd.f32 v14, v22;
	v30 =	vadd.f32 v30, v23;
	v10 =	vld [tilespmem:s29+$0x8010]  }
0x4f: {  	v23 =	vadd.s32 v25, v26;
	v21 =	vadd.f32 v31, v21;
	v22 =	vadd.f32 v32, v17;
	v14 =	vld [tilespmem:s29+$0x10010];
	v4 =	vmovc v16  }
0x50: {  	s31 =	sadd.s32 $0x200, s31;
	s2 =	sadd.s32 $0x40, s2;
	v25 =	vadd.s32 v27, v23;
	v23 =	vadd.f32 v28, v24;
	v24 =	vadd.f32 v29, v30;
	v17 =	vld [tilespmem:s29+$0x0];
	v6 =	vmovc v18  }
0x51: {  	s28 =	sshll.u32 s26, $0x1  }
0x52: {  	s0 =	sadd.s32 s28, s12  }
0x53: {  	s2 =	sshrl.u32 s0, $0x5;
	s0 =	sshll.u32 s0, $0xE  }
0x54: {  	s0 =	sand.u32 $0x3C000, s0;
	s23 =	sshll.u32 s2, $0x13  }
0x55: {  	s23 =	sor.u32 s0, s23  }
0x56: {  	v26 =	vld [tilespmem:s29+$0x10000];
	s2 =	sshll.u32 s2, $0x12;
	s23 =	sshrl.u32 s23, $0x3  }
0x57: {  	v27 =	vld [tilespmem:s29+$0x8000];
	s30 =	simm.s32 $0x0;
	s0 =	sor.u32 s0, s2;
	s29 =	sadd.s32 s1, s23  }
0x58: {  	[tilespmem:s30], [sflag:$0x1] =	stream.linear.gather [hbm4b:s29+s30], $0x4000, $0x38;
	[tilespmem:$0x18400] =	vst v63  }
0x59: {  	s0 =	sshrl.u32 s0, $0x3;
	s23 =	sadd.s32 s23, s5  }
0x5a: {  	[tilespmem:s16], [sflag:$0x1] =	stream.linear.gather [hbm4b:s23+s30], $0x4000, $0x38;
	[tilespmem:$0x18400] =	vst v63  }
0x5b: {  	s0 =	sadd.s32 s3, s0  }
0x5c: {  	[tilespmem:s17], [sflag:$0x1] =	stream.linear.gather [hbm4b:s0+s30], $0x4000, $0x38;
	[tilespmem:$0x18400] =	vst v63  }
0x5d: {  	_ =	swait.ge [sflag:s22], $0x4000  }
0x5e: {  	[sflag:s22] =	ssyncset.done $0x0  }
0x5f: {  	[sflag:s22] =	ssyncadd.s32 $0xFFFFC000  }
0x60: {  	_ =	swait.ge [sflag:s22], $0x4000  }
0x61: {  	[sflag:s22] =	ssyncset.done $0x0  }
0x62: {  	v19 =	vadd.f32 v19, v21;
	s6 =	sand.u32 $0xC00, s30;
	s2 =	sand.u32 $0x3000, s30;
	[sflag:s22] =	ssyncadd.s32 $0xFFFFC000  }
0x63: {  	v20 =	vadd.f32 v20, v22;
	v3 =	vadd.s32 v3, v25;
	vm1 =	veq.s32 v1, $0x0;
	s23 =	sand.u32 $0x380, s30;
	s0 =	sor.u32 s6, s2;
	_ =	swait.ge [sflag:s22], $0x4000  }
0x64: {  	v5 =	vmul.f32 v5, v7;
	vm0 =	veq.s32 v11, $0x0;
	v15 =	vmul.f32 v15, v8;
	s6 =	sand.u32 $0x40, s30;
	s0 =	sor.u32 s23, s0;
	[sflag:s22] =	ssyncset.done $0x0  }
0x65: {  	v16 =	vmul.f32 v16, v4;
	v18 =	vmul.f32 v18, v6;
	v12 =	vadd.f32 v12, v23;
	s0 =	sor.u32 s6, s0;
	[sflag:s22] =	ssyncadd.s32 $0xFFFFC000  }
0x66: {  	v13 =	vadd.f32 v13, v24;
	v21 =	vadd.s32 v2, v3;
	v23 =	vmul.f32 v9, v9;
	v22 =	vld [tilespmem:s0+$0x4030]  }
0x67: {  	v7 =	vsel vm1, v7, v8;
	v25 =	vmul.f32 v10, v10;
	vm3 =	veq.s32 v26, $0x0;
	v24 =	vld [tilespmem:s0+$0xC030]  }
0x68: {  	vm2 =	veq.s32 v14, $0x0;
	v3 =	vmul.f32 v17, v17;
	v17 =	vsel vm3, v17, v27;
	v2 =	vld [tilespmem:s0+$0x14030]  }
0x69: {  	v28 =	vmul.f32 v27, v27;
	v27 =	vsel vm3, $0x0, v27;
	v17 =	vadd.f32 v17, v19;
	v29 =	vld [tilespmem:s0+$0x4020]  }
0x6a: {  	v9 =	vsel vm2, v9, v10;
	v12 =	vadd.f32 v3, v12;
	v20 =	vadd.f32 v27, v20;
	v3 =	vld [tilespmem:s0+$0x14020]  }
0x6b: {  	v10 =	vsel vm2, $0x0, v10;
	v13 =	vadd.f32 v28, v13;
	v9 =	vadd.f32 v9, v17;
	v17 =	vld [tilespmem:s0+$0x4010]  }
0x6c: {  	v4 =	vsel vm0, v4, v6;
	v12 =	vadd.f32 v23, v12;
	v10 =	vadd.f32 v10, v20;
	v23 =	vld [tilespmem:s0+$0xC010]  }
0x6d: {  	v6 =	vsel vm0, $0x0, v6;
	v13 =	vadd.f32 v25, v13;
	v4 =	vadd.f32 v4, v9;
	v25 =	vld [tilespmem:s0+$0x14010]  }
0x6e: {  	v9 =	vadd.s32 v21, v26;
	v6 =	vadd.f32 v6, v10;
	v10 =	vadd.f32 v16, v12;
	v12 =	vld [tilespmem:s0+$0x4000]  }
0x6f: {  	v8 =	vsel vm1, $0x0, v8;
	v13 =	vadd.f32 v18, v13;
	s23 =	simm.s32 $0x200;
	v9 =	vadd.s32 v14, v9;
	s6 =	simm.s32 $0x40;
	v18 =	vld [tilespmem:s0+$0x14000]  }
0x70: {  	s29 =	simm.s32 $0x10;
	v14 =	vadd.f32 v7, v4;
	s2 =	sand.u32 $0xC00, s23;
	v4 =	vadd.s32 v11, v9;
	v11 =	vadd.f32 v8, v6;
	s30 =	sand.u32 $0x3000, s6;
	v6 =	vld [tilespmem:s0+$0xC000]  }
0x71: {  	v10 =	vadd.f32 v5, v10;
	v13 =	vadd.f32 v15, v13;
	s2 =	sor.u32 s2, s30;
	s30 =	sand.u32 $0x380, s29  }
0x72: {  	v15 =	vadd.s32 v1, v4;
	s23 =	sand.u32 $0x40, s6;
	s2 =	sor.u32 s30, s2;
	vm12 =	veq.s32 v2, $0x0;
	v8 =	vmul.f32 v22, v22  }
0x73: {  	s30 =	sor.u32 s23, s2;
	v19 =	vld [tilespmem:s0+$0xC020];
	vm13 =	veq.s32 v3, $0x0;
	v9 =	vmul.f32 v24, v24;
	v26 =	vmul.f32 v29, v29  }
0x74: {  	v5 =	vld [tilespmem:s30+$0x4030];
	vm14 =	veq.s32 v25, $0x0;
	v21 =	vmul.f32 v17, v17;
	v62 =	vmul.f32 v23, v23  }
0x75: {  	v7 =	vld [tilespmem:s30+$0xC030];
	vm15 =	veq.s32 v18, $0x0;
	v30 =	vmul.f32 v12, v12;
	v31 =	vmul.f32 v6, v6  }
0x76: {  	v1 =	vld [tilespmem:s30+$0x14030];
	v15 =	vadd.s32 v15, v18;
	v16 =	vsel vm12, v22, v24;
	v12 =	vsel vm15, v12, v6  }
0x77: {  	v4 =	vld [tilespmem:s30+$0x4020];
	v22 =	vsel vm15, $0x0, v6;
	v14 =	vadd.f32 v12, v14;
	v13 =	vadd.f32 v31, v13  }
0x78: {  	v6 =	vld [tilespmem:s30+$0xC020];
	v17 =	vsel vm14, v17, v23;
	v11 =	vadd.f32 v22, v11;
	v22 =	vadd.f32 v30, v10  }
0x79: {  	v23 =	vsel vm14, $0x0, v23;
	v12 =	vld [tilespmem:s30+$0x14020];
	v17 =	vadd.f32 v17, v14;
	v13 =	vadd.f32 v62, v13  }
0x7a: {  	v27 =	vmul.f32 v19, v19;
	v20 =	vsel vm12, $0x0, v24;
	v10 =	vld [tilespmem:s30+$0x4010];
	v23 =	vadd.f32 v23, v11  }
0x7b: {  	v24 =	vsel vm13, v29, v19;
	v19 =	vsel vm13, $0x0, v19;
	v11 =	vld [tilespmem:s30+$0xC010];
	v63 =	vadd.f32 v21, v22  }
0x7c: {  	v25 =	vadd.s32 v25, v15;
	v15 =	vmovc v7;
	v14 =	vld [tilespmem:s30+$0x14010];
	v22 =	vadd.f32 v24, v17;
	v21 =	vadd.f32 v19, v23  }
0x7d: {  	s31 =	simm.s32 $0x4;
	s2 =	simm.s32 $0x400;
	s0 =	simm.s32 $0x80;
	v19 =	vld [tilespmem:s30+$0x4000];
	v23 =	vadd.f32 v26, v63;
	v24 =	vadd.f32 v27, v13;
	v18 =	vmovc v6;
	v13 =	vmovc v5;
	v17 =	vmov v4  }
.LBB2_5:
0x7e: {  	s23 =	sand.u32 $0x3000, s0;
	s6 =	sand.u32 $0xC00, s2;
	v26 =	vld [tilespmem:s30+$0x14000];
	s29 =	sadd.s32 $0x10, s29;
	v25 =	vadd.s32 v3, v25;
	v22 =	vadd.f32 v16, v22;
	v21 =	vadd.f32 v20, v21;
	v3 =	vmovc v12  }
0x7f: {  	s6 =	sor.u32 s6, s23;
	s23 =	sand.u32 $0x380, s29;
	v12 =	vld [tilespmem:s30+$0xC000];
	v23 =	vadd.f32 v8, v23;
	v24 =	vadd.f32 v9, v24;
	v25 =	vadd.s32 v2, v25;
	v2 =	vmovc v1  }
0x80: {  	s30 =	sand.u32 $0x40, s0;
	s6 =	sor.u32 s23, s6;
	vm1 =	veq.s32 v2, $0x0  }
0x81: {  	vm0 =	veq.s32 v3, $0x0;
	v8 =	vmul.f32 v13, v5;
	v9 =	vmul.f32 v15, v7;
	s30 =	sor.u32 s30, s6;
	v27 =	vmovc v14  }
0x82: {  	v28 =	vmul.f32 v17, v4;
	v29 =	vmul.f32 v18, v6;
	v13 =	vld [tilespmem:s30+$0x4030];
	vm2 =	veq.s32 v27, $0x0  }
0x83: {  	v30 =	vmul.f32 v11, v11;
	v14 =	vmul.f32 v10, v10;
	v15 =	vld [tilespmem:s30+$0xC030];
	vm3 =	veq.s32 v26, $0x0  }
0x84: {  	v16 =	vsel vm1, v5, v7;
	v31 =	vmul.f32 v19, v19;
	v1 =	vld [tilespmem:s30+$0x14030];
	v32 =	vmul.f32 v12, v12  }
0x85: {  	s31 =	sadd.s32 $0x4, s31;
	v20 =	vsel vm1, $0x0, v7;
	v33 =	vsel vm3, v19, v12;
	v12 =	vsel vm3, $0x0, v12;
	v17 =	vld [tilespmem:s30+$0x4020]  }
0x86: {  	p0 =	slt.u32 s31, $0x3FC;
	v33 =	vadd.f32 v33, v22;
	v19 =	vadd.f32 v12, v21;
	v21 =	vsel vm2, v10, v11;
	v18 =	vld [tilespmem:s30+$0xC020]  }
.Ltmp1:
0x87: {  	v22 =	vadd.f32 v31, v23;
	v11 =	vsel vm2, $0x0, v11;
	v23 =	vadd.f32 v32, v24;
	v12 =	vld [tilespmem:s30+$0x14020];
	v5 =	vmovc v13;
	(pc) =	sbr.rel @p0 .LBB2_5-.Ltmp1, $4  }
0x88: {  	v31 =	vsel vm0, v4, v6;
	v21 =	vadd.f32 v21, v33;
	v19 =	vadd.f32 v11, v19;
	v10 =	vld [tilespmem:s30+$0x4010];
	v7 =	vmovc v15  }
0x89: {  	v32 =	vsel vm0, $0x0, v6;
	v24 =	vadd.f32 v14, v22;
	v30 =	vadd.f32 v30, v23;
	v11 =	vld [tilespmem:s30+$0xC010]  }
0x8a: {  	v23 =	vadd.s32 v25, v26;
	v22 =	vadd.f32 v31, v21;
	v21 =	vadd.f32 v32, v19;
	v14 =	vld [tilespmem:s30+$0x14010];
	v4 =	vmovc v17  }
0x8b: {  	s2 =	sadd.s32 $0x200, s2;
	s0 =	sadd.s32 $0x40, s0;
	v25 =	vadd.s32 v27, v23;
	v23 =	vadd.f32 v28, v24;
	v24 =	vadd.f32 v29, v30;
	v19 =	vld [tilespmem:s30+$0x4000];
	v6 =	vmovc v18  }
0x8c: {  	v16 =	vadd.f32 v16, v22  }
0x8d: {  	v26 =	vld [tilespmem:s30+$0x14000];
	v3 =	vadd.s32 v3, v25;
	v20 =	vadd.f32 v20, v21;
	vm0 =	veq.s32 v1, $0x0  }
0x8e: {  	v56 =	vld [tilespmem:s30+$0xC000];
	vm1 =	veq.s32 v12, $0x0;
	v57 =	vmul.f32 v18, v6;
	v8 =	vadd.f32 v8, v23  }
0x8f: {  	v2 =	vadd.s32 v2, v3;
	v3 =	vmul.f32 v13, v5;
	v13 =	vmul.f32 v15, v7  }
0x90: {  	v9 =	vadd.f32 v9, v24;
	v15 =	vmul.f32 v17, v4;
	v58 =	vmul.f32 v10, v10  }
0x91: {  	v5 =	vsel vm0, v5, v7;
	v7 =	vsel vm0, $0x0, v7;
	v4 =	vsel vm1, v4, v6  }
0x92: {  	v59 =	vmul.f32 v11, v11;
	v60 =	vmul.f32 v19, v19;
	vm3 =	veq.s32 v26, $0x0  }
0x93: {  	vm2 =	veq.s32 v14, $0x0;
	v61 =	vmul.f32 v56, v56;
	v62 =	vsel vm3, v19, v56  }
0x94: {  	v21 =	vsel vm3, $0x0, v56;
	v8 =	vadd.f32 v60, v8;
	v16 =	vadd.f32 v62, v16  }
0x95: {  	v10 =	vsel vm2, v10, v11;
	v63 =	vadd.f32 v21, v20;
	v9 =	vadd.f32 v61, v9  }
0x96: {  	p0 =	seq.s32 s26, $0x2;
	v11 =	vsel vm2, $0x0, v11;
	v8 =	vadd.f32 v58, v8;
	v10 =	vadd.f32 v10, v16  }
.Ltmp2:
0x97: {  	v6 =	vsel vm1, $0x0, v6;
	v11 =	vadd.f32 v11, v63;
	v9 =	vadd.f32 v59, v9;
	(pc) =	sbr.rel @p0 .LBB2_8-.Ltmp2, $4  }
0x98: {  	v2 =	vadd.s32 v2, v26;
	v8 =	vadd.f32 v15, v8;
	v4 =	vadd.f32 v4, v10  }
0x99: {  	v2 =	vadd.s32 v14, v2;
	v6 =	vadd.f32 v6, v11;
	v9 =	vadd.f32 v57, v9  }
0x9a: {  	v2 =	vadd.s32 v12, v2;
	v10 =	vadd.f32 v3, v8;
	v14 =	vadd.f32 v5, v4  }
0x9b: {  	v11 =	vadd.f32 v7, v6;
	v9 =	vadd.f32 v13, v9;
	v5 =	vadd.s32 v1, v2  }
0x9c: {  	s0 =	sadd.s32 s28, s13  }
0x9d: {  	s2 =	sshrl.u32 s0, $0x5;
	s0 =	sshll.u32 s0, $0xE  }
0x9e: {  	s0 =	sand.u32 $0x3C000, s0;
	s6 =	sshll.u32 s2, $0x13  }
0x9f: {  	s6 =	sor.u32 s0, s6  }
0xa0: {  	s6 =	sshrl.u32 s6, $0x3  }
0xa1: {  	s2 =	sshll.u32 s2, $0x12;
	s23 =	sadd.s32 s1, s6  }
0xa2: {  	[tilespmem:s18], [sflag:$0x2] =	stream.linear.gather [hbm4b:s23+s4], $0x4000, $0x38;
	[tilespmem:$0x18400] =	vst v63  }
.Ltmp3:
0xa3: {  	s0 =	sor.u32 s0, s2;
	(pc) =	sbr.rel .LBB2_2-.Ltmp3, $4  }
0xa4: {  	s0 =	sshrl.u32 s0, $0x3;
	s6 =	sadd.s32 s6, s5  }
0xa5: {  	[tilespmem:s19], [sflag:$0x2] =	stream.linear.gather [hbm4b:s6+s4], $0x4000, $0x38;
	[tilespmem:$0x18400] =	vst v63  }
0xa6: {  	s26 =	sadd.s32 $0x1, s26;
	s0 =	sadd.s32 s3, s0  }
0xa7: {  	[tilespmem:s20], [sflag:$0x2] =	stream.linear.gather [hbm4b:s0+s4], $0x4000, $0x38;
	[tilespmem:$0x18400] =	vst v63  }
.LBB2_8:
0xa8: {  	_ =	swait.ge [sflag:s21], $0x4000  }
0xa9: {  	[sflag:s21] =	ssyncset.done $0x0  }
0xaa: {  	[sflag:s21] =	ssyncadd.s32 $0xFFFFC000  }
0xab: {  	_ =	swait.ge [sflag:s21], $0x4000  }
0xac: {  	s0 =	simm.s32 $0x0;
	[sflag:s21] =	ssyncset.done $0x0  }
0xad: {  	s2 =	sand.u32 $0x3000, s0;
	s6 =	sand.u32 $0xC00, s0;
	[sflag:s21] =	ssyncadd.s32 $0xFFFFC000  }
0xae: {  	s26 =	sand.u32 $0x380, s0;
	s2 =	sor.u32 s6, s2;
	_ =	swait.ge [sflag:s21], $0x4000  }
0xaf: {  	s0 =	sand.u32 $0x40, s0;
	s2 =	sor.u32 s26, s2;
	[sflag:s21] =	ssyncset.done $0x0  }
0xb0: {  	s0 =	sor.u32 s0, s2;
	[sflag:s21] =	ssyncadd.s32 $0xFFFFC000  }
0xb1: {  	v7 =	vld [tilespmem:s0+$0x30]  }
0xb2: {  	v8 =	vld [tilespmem:s0+$0x8030]  }
0xb3: {  	v1 =	vld [tilespmem:s0+$0x10030]  }
0xb4: {  	v15 =	vld [tilespmem:s0+$0x20]  }
0xb5: {  	v17 =	vld [tilespmem:s0+$0x8020]  }
0xb6: {  	v2 =	vld [tilespmem:s0+$0x10020]  }
0xb7: {  	v18 =	vld [tilespmem:s0+$0x10]  }
0xb8: {  	v20 =	vld [tilespmem:s0+$0x8010]  }
0xb9: {  	v23 =	vld [tilespmem:s0+$0x10010]  }
0xba: {  	v19 =	vld [tilespmem:s0+$0x0]  }
0xbb: {  	s30 =	simm.s32 $0x200;
	s31 =	simm.s32 $0x40;
	v21 =	vld [tilespmem:s0+$0x10000]  }
0xbc: {  	s23 =	sand.u32 $0x3000, s31;
	s26 =	simm.s32 $0x10;
	s2 =	sand.u32 $0xC00, s30;
	v22 =	vld [tilespmem:s0+$0x8000]  }
0xbd: {  	s30 =	sand.u32 $0x380, s26;
	s2 =	sor.u32 s2, s23  }
0xbe: {  	s31 =	sand.u32 $0x40, s31;
	s2 =	sor.u32 s30, s2;
	vm1 =	veq.s32 v1, $0x0;
	v12 =	vmul.f32 v7, v7;
	v13 =	vmul.f32 v8, v8  }
0xbf: {  	s28 =	sor.u32 s31, s2;
	vm0 =	veq.s32 v2, $0x0;
	v24 =	vmul.f32 v15, v15;
	v26 =	vmul.f32 v17, v17  }
0xc0: {  	v6 =	vld [tilespmem:s28+$0x30];
	vm2 =	veq.s32 v23, $0x0;
	v25 =	vmul.f32 v18, v18;
	v27 =	vmul.f32 v20, v20  }
0xc1: {  	v4 =	vld [tilespmem:s28+$0x8030];
	vm3 =	veq.s32 v21, $0x0;
	v28 =	vmul.f32 v19, v19;
	v29 =	vmul.f32 v22, v22  }
0xc2: {  	v3 =	vld [tilespmem:s28+$0x10030];
	v5 =	vadd.s32 v5, v21;
	v16 =	vsel vm1, v7, v8;
	v30 =	vsel vm3, v19, v22  }
0xc3: {  	v7 =	vld [tilespmem:s28+$0x20];
	v22 =	vsel vm3, $0x0, v22;
	v19 =	vsel vm1, $0x0, v8;
	v14 =	vadd.f32 v30, v14  }
0xc4: {  	v8 =	vld [tilespmem:s28+$0x8020];
	v18 =	vsel vm2, v18, v20;
	v22 =	vadd.f32 v22, v11;
	v28 =	vadd.f32 v28, v10  }
0xc5: {  	v11 =	vld [tilespmem:s28+$0x10020];
	v29 =	vadd.f32 v29, v9;
	v10 =	vsel vm2, $0x0, v20;
	v18 =	vadd.f32 v18, v14  }
0xc6: {  	v15 =	vsel vm0, v15, v17;
	v17 =	vsel vm0, $0x0, v17;
	v9 =	vld [tilespmem:s28+$0x10];
	v20 =	vadd.f32 v10, v22  }
0xc7: {  	v10 =	vld [tilespmem:s28+$0x8010];
	v28 =	vadd.f32 v25, v28;
	v27 =	vadd.f32 v27, v29  }
0xc8: {  	v14 =	vld [tilespmem:s28+$0x10010];
	v25 =	vadd.s32 v23, v5;
	v5 =	vmovc v6;
	v21 =	vadd.f32 v15, v18;
	v22 =	vadd.f32 v17, v20  }
0xc9: {  	s29 =	simm.s32 $0x4;
	s2 =	simm.s32 $0x400;
	s0 =	simm.s32 $0x80;
	v20 =	vld [tilespmem:s28+$0x0];
	v23 =	vadd.f32 v24, v28;
	v24 =	vadd.f32 v26, v27;
	v15 =	vmovc v4;
	v17 =	vmovc v7;
	v18 =	vmov v8  }
.LBB2_9:
0xca: {  	s6 =	sand.u32 $0x3000, s0;
	s23 =	sand.u32 $0xC00, s2;
	v26 =	vld [tilespmem:s28+$0x10000];
	s26 =	sadd.s32 $0x10, s26;
	v25 =	vadd.s32 v2, v25;
	v21 =	vadd.f32 v16, v21;
	v22 =	vadd.f32 v19, v22;
	v2 =	vmovc v11  }
0xcb: {  	s6 =	sor.u32 s23, s6;
	s23 =	sand.u32 $0x380, s26;
	v11 =	vld [tilespmem:s28+$0x8000];
	v23 =	vadd.f32 v12, v23;
	v24 =	vadd.f32 v13, v24;
	v25 =	vadd.s32 v1, v25;
	v1 =	vmovc v3  }
0xcc: {  	s28 =	sand.u32 $0x40, s0;
	s6 =	sor.u32 s23, s6;
	vm1 =	veq.s32 v1, $0x0  }
0xcd: {  	vm0 =	veq.s32 v2, $0x0;
	v12 =	vmul.f32 v5, v6;
	v13 =	vmul.f32 v15, v4;
	s28 =	sor.u32 s28, s6;
	v27 =	vmovc v14  }
0xce: {  	v28 =	vmul.f32 v17, v7;
	v29 =	vmul.f32 v18, v8;
	v5 =	vld [tilespmem:s28+$0x30];
	vm2 =	veq.s32 v27, $0x0  }
0xcf: {  	v30 =	vmul.f32 v10, v10;
	v14 =	vmul.f32 v9, v9;
	v15 =	vld [tilespmem:s28+$0x8030];
	vm3 =	veq.s32 v26, $0x0  }
0xd0: {  	v16 =	vsel vm1, v6, v4;
	v31 =	vmul.f32 v20, v20;
	v3 =	vld [tilespmem:s28+$0x10030];
	v32 =	vmul.f32 v11, v11  }
0xd1: {  	s29 =	sadd.s32 $0x4, s29;
	v19 =	vsel vm1, $0x0, v4;
	v33 =	vsel vm3, v20, v11;
	v11 =	vsel vm3, $0x0, v11;
	v17 =	vld [tilespmem:s28+$0x20]  }
0xd2: {  	p0 =	slt.u32 s29, $0x3FC;
	v33 =	vadd.f32 v33, v21;
	v20 =	vadd.f32 v11, v22;
	v21 =	vsel vm2, v9, v10;
	v18 =	vld [tilespmem:s28+$0x8020]  }
.Ltmp4:
0xd3: {  	v22 =	vadd.f32 v31, v23;
	v10 =	vsel vm2, $0x0, v10;
	v23 =	vadd.f32 v32, v24;
	v11 =	vld [tilespmem:s28+$0x10020];
	v6 =	vmovc v5;
	(pc) =	sbr.rel @p0 .LBB2_9-.Ltmp4, $4  }
0xd4: {  	v31 =	vsel vm0, v7, v8;
	v21 =	vadd.f32 v21, v33;
	v20 =	vadd.f32 v10, v20;
	v9 =	vld [tilespmem:s28+$0x10];
	v4 =	vmovc v15  }
0xd5: {  	v32 =	vsel vm0, $0x0, v8;
	v24 =	vadd.f32 v14, v22;
	v30 =	vadd.f32 v30, v23;
	v10 =	vld [tilespmem:s28+$0x8010]  }
0xd6: {  	v23 =	vadd.s32 v25, v26;
	v21 =	vadd.f32 v31, v21;
	v22 =	vadd.f32 v32, v20;
	v14 =	vld [tilespmem:s28+$0x10010];
	v7 =	vmovc v17  }
0xd7: {  	s2 =	sadd.s32 $0x200, s2;
	s0 =	sadd.s32 $0x40, s0;
	v25 =	vadd.s32 v27, v23;
	v23 =	vadd.f32 v28, v24;
	v24 =	vadd.f32 v29, v30;
	v20 =	vld [tilespmem:s28+$0x0];
	v8 =	vmovc v18  }
0xd8: {  	v2 =	vadd.s32 v2, v25;
	v16 =	vadd.f32 v16, v21;
	v19 =	vadd.f32 v19, v22  }
0xd9: {  	v26 =	vld [tilespmem:s28+$0x10000];
	vm0 =	veq.s32 v3, $0x0;
	vm1 =	veq.s32 v11, $0x0;
	v47 =	vmul.f32 v15, v4  }
0xda: {  	v46 =	vld [tilespmem:s28+$0x8000];
	v48 =	vmul.f32 v17, v7;
	v49 =	vmul.f32 v18, v8;
	v12 =	vadd.f32 v12, v23  }
0xdb: {  	v13 =	vadd.f32 v13, v24;
	v1 =	vadd.s32 v1, v2;
	v2 =	vmul.f32 v5, v6  }
0xdc: {  	v50 =	vmul.f32 v9, v9;
	v58 =	vsel vm1, v7, v8;
	v59 =	vsel vm1, $0x0, v8  }
0xdd: {  	v51 =	vmul.f32 v10, v10;
	vm2 =	veq.s32 v14, $0x0;
	v52 =	vmul.f32 v20, v20  }
0xde: {  	v56 =	vsel vm2, v9, v10;
	v57 =	vsel vm2, $0x0, v10;
	vm3 =	veq.s32 v26, $0x0  }
0xdf: {  	v54 =	vmul.f32 v46, v46;
	v53 =	vsel vm3, v20, v46;
	v12 =	vadd.f32 v52, v12  }
0xe0: {  	v1 =	vadd.s32 v1, v26;
	v21 =	vsel vm3, $0x0, v46;
	v16 =	vadd.f32 v53, v16  }
0xe1: {  	v1 =	vadd.s32 v14, v1;
	v19 =	vadd.f32 v21, v19;
	v12 =	vadd.f32 v50, v12  }
0xe2: {  	v13 =	vadd.f32 v54, v13;
	v1 =	vadd.s32 v11, v1;
	v9 =	vadd.f32 v56, v16  }
0xe3: {  	v1 =	vadd.s32 v3, v1;
	v10 =	vadd.f32 v57, v19;
	v62 =	vadd.f32 v48, v12  }
0xe4: {  	v61 =	vadd.f32 v51, v13;
	v1 =	vcvt.s32.f32 v1;
	v7 =	vadd.f32 v58, v9  }
0xe5: {  	[tilespmem:$0x18280] =	vst v0;
	v55 =	vsel vm0, v6, v4;
	v8 =	vadd.f32 v59, v10;
	v2 =	vadd.f32 v2, v62  }
0xe6: {  	v60 =	vsel vm0, $0x0, v4;
	v63 =	vadd.f32 v49, v61;
	[tilespmem:$0x18200] =	vst v1;
	v6 =	vadd.f32 v55, v7  }
0xe7: {  	v4 =	vadd.f32 v60, v8;
	[tilespmem:$0x18100] =	vst v2  }
0xe8: {  	s25 =	sadd.s32 $0x1, s25;
	v5 =	vadd.f32 v47, v63;
	[tilespmem:$0x18000] =	vst v6  }
0xe9: {  	p0 =	sne.s32 s25, s15;
	[tilespmem:$0x18080] =	vst v4  }
.Ltmp5:
0xea: {  	s0 =	simm.s32 $0x18000;
	[tilespmem:$0x18180] =	vst v5;
	(pc) =	sbr.rel @p0 .LBB2_1-.Ltmp5, $4  }
0xeb: {  	[hbm4b:s14+s4] =	stream.linear.scatter [tilespmem:s0], [sflag:$0x3], $0x300, $0x38;
	[tilespmem:$0x18400] =	vst v63  }
0xec: {  	_ =	swait.ge [sflag:s24], $0x300  }
0xed: {  	[sflag:s24] =	ssyncset.done $0x0  }
0xee: {  	[sflag:s24] =	ssyncadd.s32 $0xFFFFFD00  }
0xef: {  	_ =	sfence.sel $0x180000  }
0xf0: {  	[bflag:$0x0] =	sbarrier.arrive $0xFFFF  }
0xf1: {  	_ =	strace $0x90000047  }
0xf2: {  	s0 =	stileid.u32;
	[bflag:$0x2] =	sbarrier.arrive $0xFFFF  }
0xf3: {  	p0 =	sne.s32 s0, $0x0;
	s0 =	rddreg [dreg:$0x3]  }
0xf4: {  	s0 =	sadd.s32 @!p0 $0x100000, s0  }
0xf5: {  	[sflag:s0] =	ssyncadd.tile.s32 @!p0 $0x1;
	_ =	shalt  }
.Lfunc_end2:
_tile_overlayer_lowered:
.L_overlay_start_2:
0xf6: {  	(tag) =	ssettag $0x2  }
0xf7: {  	s0 =	rddreg [dreg:$0x0];
	s2 =	stileid.u32  }
0xf8: {  	s1 =	rddreg [dreg:$0x1];
	p0 =	sne.s32 s2, $0x0  }
0xf9: {  	s3 =	rddreg [dreg:$0x2];
	[bflag:$0x3] =	sbarrier.arrive $0xFFFF;
	s2 =	simm.s32 @!p0 $0x1C03  }
0xfa: {  	[timem:s3], [sflag:s2] =	dma.local @!p0 [hbm:s0], s1  }
0xfb: {  	s0 =	simm.s32 @!p0 $0x3  }
0xfc: {  	_ =	swait.ge @!p0 [sflag:s0], s1  }
0xfd: {  	s1 =	ssub.s32 @!p0 $0x0, s1;
	[sflag:s0] =	ssyncset.done @!p0 $0x0  }
0xfe: {  	[sflag:s0] =	ssyncadd.s32 @!p0 s1  }
0xff: {  	[bflag:$0x3] =	sbarrier.arrive $0xFFFF  }
0x100: {  	_ =	shalt  }

</sc_bundles>
